<compile_context>
chip_gen: v7x
topology: tpu7x:2x2x1
jax: 0.10.2.dev20260603
libtpu: 0.0.44.dev20260713+nightly
codegen_flags: <defaults>
</compile_context>

<pallas_src>
import functools

import jax
import jax.numpy as jnp
from jax import lax
from jax.experimental import pallas as pl
from jax.experimental.pallas import tpu as pltpu
from jax.experimental.pallas import tpu_sc as plsc

D = 128
NC = 2
NS = 16
NW = NC * NS
NBUF = 8


def _make_gather(batch: int, seq: int):
    b_per_w = batch // NW
    ngroups = b_per_w // NBUF
    assert b_per_w % NBUF == 0
    mesh = plsc.VectorSubcoreMesh(core_axis_name="c", subcore_axis_name="s")

    @functools.partial(
        pl.kernel,
        out_type=jax.ShapeDtypeStruct((batch, seq, D), jnp.float32),
        mesh=mesh,
        scratch_types=[
            pltpu.VMEM((b_per_w, seq), jnp.int32),
            pltpu.VMEM((NBUF, seq, D), jnp.float32),
            [pltpu.SemaphoreType.DMA] * NBUF,
            [pltpu.SemaphoreType.DMA] * NBUF,
        ],
    )
    def gather_kernel(idx_hbm, table_hbm, out_hbm, idx_v, bufs, gsems, ssems):
        wid = lax.axis_index("s") * NC + lax.axis_index("c")
        base = wid * b_per_w
        pltpu.sync_copy(idx_hbm.at[pl.ds(base, b_per_w)], idx_v)

        def start_gather(r, b):
            pltpu.async_copy(table_hbm.at[idx_v.at[r]], bufs.at[b], gsems[b])

        def wait_gather(b):
            pltpu.make_async_copy(
                table_hbm.at[idx_v.at[0]], bufs.at[b], gsems[b]
            ).wait()

        def start_store(r, b):
            pltpu.async_copy(bufs.at[b], out_hbm.at[base + r], ssems[b])

        def wait_store(b):
            pltpu.make_async_copy(bufs.at[b], out_hbm.at[0], ssems[b]).wait()

        for b in range(NBUF):
            start_gather(b, b)

        def group_body(g, carry):
            r0 = g * NBUF
            for b in range(NBUF):
                wait_gather(b)
                start_store(r0 + b, b)
            for b in range(NBUF):
                wait_store(b)
                start_gather(r0 + NBUF + b, b)
            return carry

        lax.fori_loop(0, ngroups - 1, group_body, 0, unroll=False)

        r0 = (ngroups - 1) * NBUF
        for b in range(NBUF):
            wait_gather(b)
            start_store(r0 + b, b)
        for b in range(NBUF):
            wait_store(b)

    return gather_kernel


def kernel(indices, W):
    batch, seq = indices.shape
    return _make_gather(batch, seq)(indices, W)

# --- scband reference (transcript-rebuilt; emitter-appended) ---
"""Pipeline reference for scband-base-model-20444044329471 (READ-ONLY COPY).

The authoritative reference and input builder live on the scoring server;
editing this copy changes nothing except your own understanding.
"""

import jax, jax.numpy as jnp
import numpy as np

VOCAB = 100000
EMBED_DIM = 128
BATCH = 4096
SEQ = 50


def setup_inputs(seed: int = 0) -> dict:
    key = jax.random.key(seed)
    k1, k2 = jax.random.split(key)
    indices = jax.random.randint(k1, (BATCH, SEQ), 0, VOCAB, dtype=jnp.int32)
    # Pretrained embedding table (stand-in for load_embeddings(embed_file)).
    W = jax.random.normal(k2, (VOCAB, EMBED_DIM), dtype=jnp.float32)
    # padding_idx=0 -> row 0 is the padding vector (zeros), matching nn.Embedding(padding_idx=0)
    W = W.at[0].set(0.0)
    return {"indices": indices, "W": W}


def reference(indices, W):
    # self.embed(indices): embedding lookup == row-gather from the table
    return jnp.take(W, indices, axis=0)

if __name__ == "__main__":
    import jax
    _d = setup_inputs()
    print(jax.jit(kernel)(*tuple(_d.values())))

</pallas_src>

<mosaic_0001>
#map = affine_map<(d0, d1) -> (0, 0)>
#map1 = affine_map<(d0, d1) -> (0, 0, 0)>
module attributes {stable_mosaic.version = 14 : i64} {
  func.func @gather_kernel(%arg0: i32, %arg1: i32, %arg2: memref<4096x50xi32, #tpu.memory_space<hbm>>, %arg3: memref<100000x128xf32, #tpu.memory_space<hbm>>, %arg4: memref<4096x50x128xf32, #tpu.memory_space<hbm>>, %arg5: memref<128x50xi32, #tpu.memory_space<vmem>>, %arg6: memref<8x50x128xf32, #tpu.memory_space<vmem>>, %arg7: memref<!tpu.dma_semaphore, #tpu.memory_space<semaphore_mem>>, %arg8: memref<!tpu.dma_semaphore, #tpu.memory_space<semaphore_mem>>, %arg9: memref<!tpu.dma_semaphore, #tpu.memory_space<semaphore_mem>>, %arg10: memref<!tpu.dma_semaphore, #tpu.memory_space<semaphore_mem>>, %arg11: memref<!tpu.dma_semaphore, #tpu.memory_space<semaphore_mem>>, %arg12: memref<!tpu.dma_semaphore, #tpu.memory_space<semaphore_mem>>, %arg13: memref<!tpu.dma_semaphore, #tpu.memory_space<semaphore_mem>>, %arg14: memref<!tpu.dma_semaphore, #tpu.memory_space<semaphore_mem>>, %arg15: memref<!tpu.dma_semaphore, #tpu.memory_space<semaphore_mem>>, %arg16: memref<!tpu.dma_semaphore, #tpu.memory_space<semaphore_mem>>, %arg17: memref<!tpu.dma_semaphore, #tpu.memory_space<semaphore_mem>>, %arg18: memref<!tpu.dma_semaphore, #tpu.memory_space<semaphore_mem>>, %arg19: memref<!tpu.dma_semaphore, #tpu.memory_space<semaphore_mem>>, %arg20: memref<!tpu.dma_semaphore, #tpu.memory_space<semaphore_mem>>, %arg21: memref<!tpu.dma_semaphore, #tpu.memory_space<semaphore_mem>>, %arg22: memref<!tpu.dma_semaphore, #tpu.memory_space<semaphore_mem>>) attributes {dimension_semantics = [#tpu.dimension_semantics<core_parallel>, #tpu.dimension_semantics<subcore_parallel>], iteration_bounds = array<i64: 2, 16>, scalar_prefetch = 0 : i64, scratch_operands = 18 : i64, tpu.core_type = #tpu.core_type<sc_vector_subcore>, window_params = [{transform_indices = #map}, {transform_indices = #map}, {transform_indices = #map1}]} {
    %mul3A = arith.constant 2 : i32
    %mul3A_0 = arith.muli %arg1, %mul3A : i32
    %add3A = arith.addi %mul3A_0, %arg0 : i32
    %mul3A_1 = arith.constant 128 : i32
    %mul3A_2 = arith.muli %add3A, %mul3A_1 : i32
    "tpu.region"() ({
      %run_scoped3A = tpu.sem_alloc : memref<!tpu.dma_semaphore, #tpu.memory_space<semaphore_mem>>
      %dma_start3A_494 = arith.constant 0 : i32
      %dma_start3A_495 = tpu.memref_slice %arg2[%mul3A_2, %dma_start3A_494] : memref<4096x50xi32, #tpu.memory_space<hbm>> -> memref<128x50xi32, #tpu.memory_space<hbm>>
      %dma_start3A_496 = arith.constant 0 : i32
      %dma_start3A_497 = tpu.memref_slice %arg2[%mul3A_2, %dma_start3A_496] : memref<4096x50xi32, #tpu.memory_space<hbm>> -> memref<128x50xi32, #tpu.memory_space<hbm>>
      tpu.enqueue_dma source(%dma_start3A_497 : memref<128x50xi32, #tpu.memory_space<hbm>>) target(%arg5 : memref<128x50xi32, #tpu.memory_space<vmem>>) target_semaphore(%run_scoped3A : memref<!tpu.dma_semaphore, #tpu.memory_space<semaphore_mem>>)
      %dma_wait3A_498 = arith.constant 0 : i32
      %dma_wait3A_499 = tpu.memref_slice %arg2[%mul3A_2, %dma_wait3A_498] : memref<4096x50xi32, #tpu.memory_space<hbm>> -> memref<128x50xi32, #tpu.memory_space<hbm>>
      %dma_wait3A_500 = arith.constant 0 : i32
      %dma_wait3A_501 = tpu.memref_slice %arg2[%mul3A_2, %dma_wait3A_500] : memref<4096x50xi32, #tpu.memory_space<hbm>> -> memref<128x50xi32, #tpu.memory_space<hbm>>
      tpu.wait_dma2 semaphore(%run_scoped3A : memref<!tpu.dma_semaphore, #tpu.memory_space<semaphore_mem>>) src(%dma_wait3A_501 : memref<128x50xi32, #tpu.memory_space<hbm>>) dst(%arg5 : memref<128x50xi32, #tpu.memory_space<vmem>>)
      tpu.yield
    }) : () -> ()
    %dma_start3A = arith.constant 0 : i32
    %dma_start3A_3 = arith.constant 0 : i32
    %dma_start3A_4 = arith.constant 0 : i32
    %dma_start3A_5 = arith.constant 0 : i32
    %dma_start3A_6 = tpu.memref_slice %arg6[%dma_start3A_3, %dma_start3A_4, %dma_start3A_5] : memref<8x50x128xf32, #tpu.memory_space<vmem>> -> memref<1x50x128xf32, #tpu.memory_space<vmem>>
    %dma_start3A_7 = tpu.memref_squeeze %dma_start3A_6 : memref<1x50x128xf32, #tpu.memory_space<vmem>> -> memref<50x128xf32, #tpu.memory_space<vmem>>
    %dma_start3A_8 = arith.constant 0 : i32
    %dma_start3A_9 = tpu.memref_slice %arg5[%dma_start3A, %dma_start3A_8] : memref<128x50xi32, #tpu.memory_space<vmem>> -> memref<1x50xi32, #tpu.memory_space<vmem>>
    %dma_start3A_10 = tpu.memref_squeeze %dma_start3A_9 : memref<1x50xi32, #tpu.memory_space<vmem>> -> memref<50xi32, #tpu.memory_space<vmem>>
    %dma_start3A_11 = arith.constant 0 : i32
    %dma_start3A_12 = arith.constant 0 : i32
    %dma_start3A_13 = tpu.memref_slice %arg3[%dma_start3A_11, %dma_start3A_12] : memref<100000x128xf32, #tpu.memory_space<hbm>> -> memref<100000x128xf32, #tpu.memory_space<hbm>>
    tpu.enqueue_indirect_dma source(%dma_start3A_13 : memref<100000x128xf32, #tpu.memory_space<hbm>>) target(%dma_start3A_7 : memref<50x128xf32, #tpu.memory_space<vmem>>) offsets(%dma_start3A_10 : memref<50xi32, #tpu.memory_space<vmem>>) semaphore(%arg7 : memref<!tpu.dma_semaphore, #tpu.memory_space<semaphore_mem>>)
    %dma_start3A_14 = arith.constant 1 : i32
    %dma_start3A_15 = arith.constant 1 : i32
    %dma_start3A_16 = arith.constant 0 : i32
    %dma_start3A_17 = arith.constant 0 : i32
    %dma_start3A_18 = tpu.memref_slice %arg6[%dma_start3A_15, %dma_start3A_16, %dma_start3A_17] : memref<8x50x128xf32, #tpu.memory_space<vmem>> -> memref<1x50x128xf32, #tpu.memory_space<vmem>>
    %dma_start3A_19 = tpu.memref_squeeze %dma_start3A_18 : memref<1x50x128xf32, #tpu.memory_space<vmem>> -> memref<50x128xf32, #tpu.memory_space<vmem>>
    %dma_start3A_20 = arith.constant 0 : i32
    %dma_start3A_21 = tpu.memref_slice %arg5[%dma_start3A_14, %dma_start3A_20] : memref<128x50xi32, #tpu.memory_space<vmem>> -> memref<1x50xi32, #tpu.memory_space<vmem>>
    %dma_start3A_22 = tpu.memref_squeeze %dma_start3A_21 : memref<1x50xi32, #tpu.memory_space<vmem>> -> memref<50xi32, #tpu.memory_space<vmem>>
    %dma_start3A_23 = arith.constant 0 : i32
    %dma_start3A_24 = arith.constant 0 : i32
    %dma_start3A_25 = tpu.memref_slice %arg3[%dma_start3A_23, %dma_start3A_24] : memref<100000x128xf32, #tpu.memory_space<hbm>> -> memref<100000x128xf32, #tpu.memory_space<hbm>>
    tpu.enqueue_indirect_dma source(%dma_start3A_25 : memref<100000x128xf32, #tpu.memory_space<hbm>>) target(%dma_start3A_19 : memref<50x128xf32, #tpu.memory_space<vmem>>) offsets(%dma_start3A_22 : memref<50xi32, #tpu.memory_space<vmem>>) semaphore(%arg8 : memref<!tpu.dma_semaphore, #tpu.memory_space<semaphore_mem>>)
    %dma_start3A_26 = arith.constant 2 : i32
    %dma_start3A_27 = arith.constant 2 : i32
    %dma_start3A_28 = arith.constant 0 : i32
    %dma_start3A_29 = arith.constant 0 : i32
    %dma_start3A_30 = tpu.memref_slice %arg6[%dma_start3A_27, %dma_start3A_28, %dma_start3A_29] : memref<8x50x128xf32, #tpu.memory_space<vmem>> -> memref<1x50x128xf32, #tpu.memory_space<vmem>>
    %dma_start3A_31 = tpu.memref_squeeze %dma_start3A_30 : memref<1x50x128xf32, #tpu.memory_space<vmem>> -> memref<50x128xf32, #tpu.memory_space<vmem>>
    %dma_start3A_32 = arith.constant 0 : i32
    %dma_start3A_33 = tpu.memref_slice %arg5[%dma_start3A_26, %dma_start3A_32] : memref<128x50xi32, #tpu.memory_space<vmem>> -> memref<1x50xi32, #tpu.memory_space<vmem>>
    %dma_start3A_34 = tpu.memref_squeeze %dma_start3A_33 : memref<1x50xi32, #tpu.memory_space<vmem>> -> memref<50xi32, #tpu.memory_space<vmem>>
    %dma_start3A_35 = arith.constant 0 : i32
    %dma_start3A_36 = arith.constant 0 : i32
    %dma_start3A_37 = tpu.memref_slice %arg3[%dma_start3A_35, %dma_start3A_36] : memref<100000x128xf32, #tpu.memory_space<hbm>> -> memref<100000x128xf32, #tpu.memory_space<hbm>>
    tpu.enqueue_indirect_dma source(%dma_start3A_37 : memref<100000x128xf32, #tpu.memory_space<hbm>>) target(%dma_start3A_31 : memref<50x128xf32, #tpu.memory_space<vmem>>) offsets(%dma_start3A_34 : memref<50xi32, #tpu.memory_space<vmem>>) semaphore(%arg9 : memref<!tpu.dma_semaphore, #tpu.memory_space<semaphore_mem>>)
    %dma_start3A_38 = arith.constant 3 : i32
    %dma_start3A_39 = arith.constant 3 : i32
    %dma_start3A_40 = arith.constant 0 : i32
    %dma_start3A_41 = arith.constant 0 : i32
    %dma_start3A_42 = tpu.memref_slice %arg6[%dma_start3A_39, %dma_start3A_40, %dma_start3A_41] : memref<8x50x128xf32, #tpu.memory_space<vmem>> -> memref<1x50x128xf32, #tpu.memory_space<vmem>>
    %dma_start3A_43 = tpu.memref_squeeze %dma_start3A_42 : memref<1x50x128xf32, #tpu.memory_space<vmem>> -> memref<50x128xf32, #tpu.memory_space<vmem>>
    %dma_start3A_44 = arith.constant 0 : i32
    %dma_start3A_45 = tpu.memref_slice %arg5[%dma_start3A_38, %dma_start3A_44] : memref<128x50xi32, #tpu.memory_space<vmem>> -> memref<1x50xi32, #tpu.memory_space<vmem>>
    %dma_start3A_46 = tpu.memref_squeeze %dma_start3A_45 : memref<1x50xi32, #tpu.memory_space<vmem>> -> memref<50xi32, #tpu.memory_space<vmem>>
    %dma_start3A_47 = arith.constant 0 : i32
    %dma_start3A_48 = arith.constant 0 : i32
    %dma_start3A_49 = tpu.memref_slice %arg3[%dma_start3A_47, %dma_start3A_48] : memref<100000x128xf32, #tpu.memory_space<hbm>> -> memref<100000x128xf32, #tpu.memory_space<hbm>>
    tpu.enqueue_indirect_dma source(%dma_start3A_49 : memref<100000x128xf32, #tpu.memory_space<hbm>>) target(%dma_start3A_43 : memref<50x128xf32, #tpu.memory_space<vmem>>) offsets(%dma_start3A_46 : memref<50xi32, #tpu.memory_space<vmem>>) semaphore(%arg10 : memref<!tpu.dma_semaphore, #tpu.memory_space<semaphore_mem>>)
    %dma_start3A_50 = arith.constant 4 : i32
    %dma_start3A_51 = arith.constant 4 : i32
    %dma_start3A_52 = arith.constant 0 : i32
    %dma_start3A_53 = arith.constant 0 : i32
    %dma_start3A_54 = tpu.memref_slice %arg6[%dma_start3A_51, %dma_start3A_52, %dma_start3A_53] : memref<8x50x128xf32, #tpu.memory_space<vmem>> -> memref<1x50x128xf32, #tpu.memory_space<vmem>>
    %dma_start3A_55 = tpu.memref_squeeze %dma_start3A_54 : memref<1x50x128xf32, #tpu.memory_space<vmem>> -> memref<50x128xf32, #tpu.memory_space<vmem>>
    %dma_start3A_56 = arith.constant 0 : i32
    %dma_start3A_57 = tpu.memref_slice %arg5[%dma_start3A_50, %dma_start3A_56] : memref<128x50xi32, #tpu.memory_space<vmem>> -> memref<1x50xi32, #tpu.memory_space<vmem>>
    %dma_start3A_58 = tpu.memref_squeeze %dma_start3A_57 : memref<1x50xi32, #tpu.memory_space<vmem>> -> memref<50xi32, #tpu.memory_space<vmem>>
    %dma_start3A_59 = arith.constant 0 : i32
    %dma_start3A_60 = arith.constant 0 : i32
    %dma_start3A_61 = tpu.memref_slice %arg3[%dma_start3A_59, %dma_start3A_60] : memref<100000x128xf32, #tpu.memory_space<hbm>> -> memref<100000x128xf32, #tpu.memory_space<hbm>>
    tpu.enqueue_indirect_dma source(%dma_start3A_61 : memref<100000x128xf32, #tpu.memory_space<hbm>>) target(%dma_start3A_55 : memref<50x128xf32, #tpu.memory_space<vmem>>) offsets(%dma_start3A_58 : memref<50xi32, #tpu.memory_space<vmem>>) semaphore(%arg11 : memref<!tpu.dma_semaphore, #tpu.memory_space<semaphore_mem>>)
    %dma_start3A_62 = arith.constant 5 : i32
    %dma_start3A_63 = arith.constant 5 : i32
    %dma_start3A_64 = arith.constant 0 : i32
    %dma_start3A_65 = arith.constant 0 : i32
    %dma_start3A_66 = tpu.memref_slice %arg6[%dma_start3A_63, %dma_start3A_64, %dma_start3A_65] : memref<8x50x128xf32, #tpu.memory_space<vmem>> -> memref<1x50x128xf32, #tpu.memory_space<vmem>>
    %dma_start3A_67 = tpu.memref_squeeze %dma_start3A_66 : memref<1x50x128xf32, #tpu.memory_space<vmem>> -> memref<50x128xf32, #tpu.memory_space<vmem>>
    %dma_start3A_68 = arith.constant 0 : i32
    %dma_start3A_69 = tpu.memref_slice %arg5[%dma_start3A_62, %dma_start3A_68] : memref<128x50xi32, #tpu.memory_space<vmem>> -> memref<1x50xi32, #tpu.memory_space<vmem>>
    %dma_start3A_70 = tpu.memref_squeeze %dma_start3A_69 : memref<1x50xi32, #tpu.memory_space<vmem>> -> memref<50xi32, #tpu.memory_space<vmem>>
    %dma_start3A_71 = arith.constant 0 : i32
    %dma_start3A_72 = arith.constant 0 : i32
    %dma_start3A_73 = tpu.memref_slice %arg3[%dma_start3A_71, %dma_start3A_72] : memref<100000x128xf32, #tpu.memory_space<hbm>> -> memref<100000x128xf32, #tpu.memory_space<hbm>>
    tpu.enqueue_indirect_dma source(%dma_start3A_73 : memref<100000x128xf32, #tpu.memory_space<hbm>>) target(%dma_start3A_67 : memref<50x128xf32, #tpu.memory_space<vmem>>) offsets(%dma_start3A_70 : memref<50xi32, #tpu.memory_space<vmem>>) semaphore(%arg12 : memref<!tpu.dma_semaphore, #tpu.memory_space<semaphore_mem>>)
    %dma_start3A_74 = arith.constant 6 : i32
    %dma_start3A_75 = arith.constant 6 : i32
    %dma_start3A_76 = arith.constant 0 : i32
    %dma_start3A_77 = arith.constant 0 : i32
    %dma_start3A_78 = tpu.memref_slice %arg6[%dma_start3A_75, %dma_start3A_76, %dma_start3A_77] : memref<8x50x128xf32, #tpu.memory_space<vmem>> -> memref<1x50x128xf32, #tpu.memory_space<vmem>>
    %dma_start3A_79 = tpu.memref_squeeze %dma_start3A_78 : memref<1x50x128xf32, #tpu.memory_space<vmem>> -> memref<50x128xf32, #tpu.memory_space<vmem>>
    %dma_start3A_80 = arith.constant 0 : i32
    %dma_start3A_81 = tpu.memref_slice %arg5[%dma_start3A_74, %dma_start3A_80] : memref<128x50xi32, #tpu.memory_space<vmem>> -> memref<1x50xi32, #tpu.memory_space<vmem>>
    %dma_start3A_82 = tpu.memref_squeeze %dma_start3A_81 : memref<1x50xi32, #tpu.memory_space<vmem>> -> memref<50xi32, #tpu.memory_space<vmem>>
    %dma_start3A_83 = arith.constant 0 : i32
    %dma_start3A_84 = arith.constant 0 : i32
    %dma_start3A_85 = tpu.memref_slice %arg3[%dma_start3A_83, %dma_start3A_84] : memref<100000x128xf32, #tpu.memory_space<hbm>> -> memref<100000x128xf32, #tpu.memory_space<hbm>>
    tpu.enqueue_indirect_dma source(%dma_start3A_85 : memref<100000x128xf32, #tpu.memory_space<hbm>>) target(%dma_start3A_79 : memref<50x128xf32, #tpu.memory_space<vmem>>) offsets(%dma_start3A_82 : memref<50xi32, #tpu.memory_space<vmem>>) semaphore(%arg13 : memref<!tpu.dma_semaphore, #tpu.memory_space<semaphore_mem>>)
    %dma_start3A_86 = arith.constant 7 : i32
    %dma_start3A_87 = arith.constant 7 : i32
    %dma_start3A_88 = arith.constant 0 : i32
    %dma_start3A_89 = arith.constant 0 : i32
    %dma_start3A_90 = tpu.memref_slice %arg6[%dma_start3A_87, %dma_start3A_88, %dma_start3A_89] : memref<8x50x128xf32, #tpu.memory_space<vmem>> -> memref<1x50x128xf32, #tpu.memory_space<vmem>>
    %dma_start3A_91 = tpu.memref_squeeze %dma_start3A_90 : memref<1x50x128xf32, #tpu.memory_space<vmem>> -> memref<50x128xf32, #tpu.memory_space<vmem>>
    %dma_start3A_92 = arith.constant 0 : i32
    %dma_start3A_93 = tpu.memref_slice %arg5[%dma_start3A_86, %dma_start3A_92] : memref<128x50xi32, #tpu.memory_space<vmem>> -> memref<1x50xi32, #tpu.memory_space<vmem>>
    %dma_start3A_94 = tpu.memref_squeeze %dma_start3A_93 : memref<1x50xi32, #tpu.memory_space<vmem>> -> memref<50xi32, #tpu.memory_space<vmem>>
    %dma_start3A_95 = arith.constant 0 : i32
    %dma_start3A_96 = arith.constant 0 : i32
    %dma_start3A_97 = tpu.memref_slice %arg3[%dma_start3A_95, %dma_start3A_96] : memref<100000x128xf32, #tpu.memory_space<hbm>> -> memref<100000x128xf32, #tpu.memory_space<hbm>>
    tpu.enqueue_indirect_dma source(%dma_start3A_97 : memref<100000x128xf32, #tpu.memory_space<hbm>>) target(%dma_start3A_91 : memref<50x128xf32, #tpu.memory_space<vmem>>) offsets(%dma_start3A_94 : memref<50xi32, #tpu.memory_space<vmem>>) semaphore(%arg14 : memref<!tpu.dma_semaphore, #tpu.memory_space<semaphore_mem>>)
    %scan3A = arith.constant 0 : i32
    %scan3A_98 = arith.constant 0 : i32
    %scan3A_99 = arith.constant 15 : i32
    %scan3A_100 = arith.addi %scan3A_98, %scan3A_99 : i32
    %scan3A_101 = arith.constant 1 : i32
    scf.for %scan3A_494 = %scan3A_98 to %scan3A_100 step %scan3A_101  : i32 {
      %mul3A_495 = arith.constant 8 : i32
      %mul3A_496 = arith.muli %scan3A_494, %mul3A_495 : i32
      %dma_wait3A_497 = arith.constant 0 : i32
      %dma_wait3A_498 = arith.constant 0 : i32
      %dma_wait3A_499 = arith.constant 0 : i32
      %dma_wait3A_500 = arith.constant 0 : i32
      %dma_wait3A_501 = tpu.memref_slice %arg6[%dma_wait3A_498, %dma_wait3A_499, %dma_wait3A_500] : memref<8x50x128xf32, #tpu.memory_space<vmem>> -> memref<1x50x128xf32, #tpu.memory_space<vmem>>
      %dma_wait3A_502 = tpu.memref_squeeze %dma_wait3A_501 : memref<1x50x128xf32, #tpu.memory_space<vmem>> -> memref<50x128xf32, #tpu.memory_space<vmem>>
      %dma_wait3A_503 = arith.constant 0 : i32
      %dma_wait3A_504 = tpu.memref_slice %arg5[%dma_wait3A_497, %dma_wait3A_503] : memref<128x50xi32, #tpu.memory_space<vmem>> -> memref<1x50xi32, #tpu.memory_space<vmem>>
      %dma_wait3A_505 = tpu.memref_squeeze %dma_wait3A_504 : memref<1x50xi32, #tpu.memory_space<vmem>> -> memref<50xi32, #tpu.memory_space<vmem>>
      %dma_wait3A_506 = arith.constant 0 : i32
      %dma_wait3A_507 = arith.constant 0 : i32
      %dma_wait3A_508 = tpu.memref_slice %arg3[%dma_wait3A_506, %dma_wait3A_507] : memref<100000x128xf32, #tpu.memory_space<hbm>> -> memref<100000x128xf32, #tpu.memory_space<hbm>>
      tpu.wait_indirect_dma semaphore(%arg7 : memref<!tpu.dma_semaphore, #tpu.memory_space<semaphore_mem>>) src(%dma_wait3A_508 : memref<100000x128xf32, #tpu.memory_space<hbm>>) dst(%dma_wait3A_502 : memref<50x128xf32, #tpu.memory_space<vmem>>)
      %add3A_509 = arith.constant 0 : i32
      %add3A_510 = arith.addi %mul3A_496, %add3A_509 : i32
      %add3A_511 = arith.addi %mul3A_2, %add3A_510 : i32
      %dma_start3A_512 = arith.constant 0 : i32
      %dma_start3A_513 = arith.constant 0 : i32
      %dma_start3A_514 = arith.constant 0 : i32
      %dma_start3A_515 = tpu.memref_slice %arg6[%dma_start3A_512, %dma_start3A_513, %dma_start3A_514] : memref<8x50x128xf32, #tpu.memory_space<vmem>> -> memref<1x50x128xf32, #tpu.memory_space<vmem>>
      %dma_start3A_516 = tpu.memref_squeeze %dma_start3A_515 : memref<1x50x128xf32, #tpu.memory_space<vmem>> -> memref<50x128xf32, #tpu.memory_space<vmem>>
      %dma_start3A_517 = arith.constant 0 : i32
      %dma_start3A_518 = arith.constant 0 : i32
      %dma_start3A_519 = tpu.memref_slice %arg4[%add3A_511, %dma_start3A_517, %dma_start3A_518] : memref<4096x50x128xf32, #tpu.memory_space<hbm>> -> memref<1x50x128xf32, #tpu.memory_space<hbm>>
      %dma_start3A_520 = tpu.memref_squeeze %dma_start3A_519 : memref<1x50x128xf32, #tpu.memory_space<hbm>> -> memref<50x128xf32, #tpu.memory_space<hbm>>
      %dma_start3A_521 = arith.constant 0 : i32
      %dma_start3A_522 = arith.constant 0 : i32
      %dma_start3A_523 = tpu.memref_slice %arg4[%add3A_511, %dma_start3A_521, %dma_start3A_522] : memref<4096x50x128xf32, #tpu.memory_space<hbm>> -> memref<1x50x128xf32, #tpu.memory_space<hbm>>
      %dma_start3A_524 = tpu.memref_squeeze %dma_start3A_523 : memref<1x50x128xf32, #tpu.memory_space<hbm>> -> memref<50x128xf32, #tpu.memory_space<hbm>>
      %dma_start3A_525 = arith.constant 0 : i32
      %dma_start3A_526 = arith.constant 0 : i32
      %dma_start3A_527 = tpu.memref_slice %arg6[%dma_start3A_512, %dma_start3A_525, %dma_start3A_526] : memref<8x50x128xf32, #tpu.memory_space<vmem>> -> memref<1x50x128xf32, #tpu.memory_space<vmem>>
      %dma_start3A_528 = tpu.memref_squeeze %dma_start3A_527 : memref<1x50x128xf32, #tpu.memory_space<vmem>> -> memref<50x128xf32, #tpu.memory_space<vmem>>
      tpu.enqueue_dma source(%dma_start3A_528 : memref<50x128xf32, #tpu.memory_space<vmem>>) target(%dma_start3A_524 : memref<50x128xf32, #tpu.memory_space<hbm>>) target_semaphore(%arg15 : memref<!tpu.dma_semaphore, #tpu.memory_space<semaphore_mem>>)
      %dma_wait3A_529 = arith.constant 0 : i32
      %dma_wait3A_530 = arith.constant 1 : i32
      %dma_wait3A_531 = arith.constant 0 : i32
      %dma_wait3A_532 = arith.constant 0 : i32
      %dma_wait3A_533 = tpu.memref_slice %arg6[%dma_wait3A_530, %dma_wait3A_531, %dma_wait3A_532] : memref<8x50x128xf32, #tpu.memory_space<vmem>> -> memref<1x50x128xf32, #tpu.memory_space<vmem>>
      %dma_wait3A_534 = tpu.memref_squeeze %dma_wait3A_533 : memref<1x50x128xf32, #tpu.memory_space<vmem>> -> memref<50x128xf32, #tpu.memory_space<vmem>>
      %dma_wait3A_535 = arith.constant 0 : i32
      %dma_wait3A_536 = tpu.memref_slice %arg5[%dma_wait3A_529, %dma_wait3A_535] : memref<128x50xi32, #tpu.memory_space<vmem>> -> memref<1x50xi32, #tpu.memory_space<vmem>>
      %dma_wait3A_537 = tpu.memref_squeeze %dma_wait3A_536 : memref<1x50xi32, #tpu.memory_space<vmem>> -> memref<50xi32, #tpu.memory_space<vmem>>
      %dma_wait3A_538 = arith.constant 0 : i32
      %dma_wait3A_539 = arith.constant 0 : i32
      %dma_wait3A_540 = tpu.memref_slice %arg3[%dma_wait3A_538, %dma_wait3A_539] : memref<100000x128xf32, #tpu.memory_space<hbm>> -> memref<100000x128xf32, #tpu.memory_space<hbm>>
      tpu.wait_indirect_dma semaphore(%arg8 : memref<!tpu.dma_semaphore, #tpu.memory_space<semaphore_mem>>) src(%dma_wait3A_540 : memref<100000x128xf32, #tpu.memory_space<hbm>>) dst(%dma_wait3A_534 : memref<50x128xf32, #tpu.memory_space<vmem>>)
      %add3A_541 = arith.constant 1 : i32
      %add3A_542 = arith.addi %mul3A_496, %add3A_541 : i32
      %add3A_543 = arith.addi %mul3A_2, %add3A_542 : i32
      %dma_start3A_544 = arith.constant 1 : i32
      %dma_start3A_545 = arith.constant 0 : i32
      %dma_start3A_546 = arith.constant 0 : i32
      %dma_start3A_547 = tpu.memref_slice %arg6[%dma_start3A_544, %dma_start3A_545, %dma_start3A_546] : memref<8x50x128xf32, #tpu.memory_space<vmem>> -> memref<1x50x128xf32, #tpu.memory_space<vmem>>
      %dma_start3A_548 = tpu.memref_squeeze %dma_start3A_547 : memref<1x50x128xf32, #tpu.memory_space<vmem>> -> memref<50x128xf32, #tpu.memory_space<vmem>>
      %dma_start3A_549 = arith.constant 0 : i32
      %dma_start3A_550 = arith.constant 0 : i32
      %dma_start3A_551 = tpu.memref_slice %arg4[%add3A_543, %dma_start3A_549, %dma_start3A_550] : memref<4096x50x128xf32, #tpu.memory_space<hbm>> -> memref<1x50x128xf32, #tpu.memory_space<hbm>>
      %dma_start3A_552 = tpu.memref_squeeze %dma_start3A_551 : memref<1x50x128xf32, #tpu.memory_space<hbm>> -> memref<50x128xf32, #tpu.memory_space<hbm>>
      %dma_start3A_553 = arith.constant 0 : i32
      %dma_start3A_554 = arith.constant 0 : i32
      %dma_start3A_555 = tpu.memref_slice %arg4[%add3A_543, %dma_start3A_553, %dma_start3A_554] : memref<4096x50x128xf32, #tpu.memory_space<hbm>> -> memref<1x50x128xf32, #tpu.memory_space<hbm>>
      %dma_start3A_556 = tpu.memref_squeeze %dma_start3A_555 : memref<1x50x128xf32, #tpu.memory_space<hbm>> -> memref<50x128xf32, #tpu.memory_space<hbm>>
      %dma_start3A_557 = arith.constant 0 : i32
      %dma_start3A_558 = arith.constant 0 : i32
      %dma_start3A_559 = tpu.memref_slice %arg6[%dma_start3A_544, %dma_start3A_557, %dma_start3A_558] : memref<8x50x128xf32, #tpu.memory_space<vmem>> -> memref<1x50x128xf32, #tpu.memory_space<vmem>>
      %dma_start3A_560 = tpu.memref_squeeze %dma_start3A_559 : memref<1x50x128xf32, #tpu.memory_space<vmem>> -> memref<50x128xf32, #tpu.memory_space<vmem>>
      tpu.enqueue_dma source(%dma_start3A_560 : memref<50x128xf32, #tpu.memory_space<vmem>>) target(%dma_start3A_556 : memref<50x128xf32, #tpu.memory_space<hbm>>) target_semaphore(%arg16 : memref<!tpu.dma_semaphore, #tpu.memory_space<semaphore_mem>>)
      %dma_wait3A_561 = arith.constant 0 : i32
      %dma_wait3A_562 = arith.constant 2 : i32
      %dma_wait3A_563 = arith.constant 0 : i32
      %dma_wait3A_564 = arith.constant 0 : i32
      %dma_wait3A_565 = tpu.memref_slice %arg6[%dma_wait3A_562, %dma_wait3A_563, %dma_wait3A_564] : memref<8x50x128xf32, #tpu.memory_space<vmem>> -> memref<1x50x128xf32, #tpu.memory_space<vmem>>
      %dma_wait3A_566 = tpu.memref_squeeze %dma_wait3A_565 : memref<1x50x128xf32, #tpu.memory_space<vmem>> -> memref<50x128xf32, #tpu.memory_space<vmem>>
      %dma_wait3A_567 = arith.constant 0 : i32
      %dma_wait3A_568 = tpu.memref_slice %arg5[%dma_wait3A_561, %dma_wait3A_567] : memref<128x50xi32, #tpu.memory_space<vmem>> -> memref<1x50xi32, #tpu.memory_space<vmem>>
      %dma_wait3A_569 = tpu.memref_squeeze %dma_wait3A_568 : memref<1x50xi32, #tpu.memory_space<vmem>> -> memref<50xi32, #tpu.memory_space<vmem>>
      %dma_wait3A_570 = arith.constant 0 : i32
      %dma_wait3A_571 = arith.constant 0 : i32
      %dma_wait3A_572 = tpu.memref_slice %arg3[%dma_wait3A_570, %dma_wait3A_571] : memref<100000x128xf32, #tpu.memory_space<hbm>> -> memref<100000x128xf32, #tpu.memory_space<hbm>>
      tpu.wait_indirect_dma semaphore(%arg9 : memref<!tpu.dma_semaphore, #tpu.memory_space<semaphore_mem>>) src(%dma_wait3A_572 : memref<100000x128xf32, #tpu.memory_space<hbm>>) dst(%dma_wait3A_566 : memref<50x128xf32, #tpu.memory_space<vmem>>)
      %add3A_573 = arith.constant 2 : i32
      %add3A_574 = arith.addi %mul3A_496, %add3A_573 : i32
      %add3A_575 = arith.addi %mul3A_2, %add3A_574 : i32
      %dma_start3A_576 = arith.constant 2 : i32
      %dma_start3A_577 = arith.constant 0 : i32
      %dma_start3A_578 = arith.constant 0 : i32
      %dma_start3A_579 = tpu.memref_slice %arg6[%dma_start3A_576, %dma_start3A_577, %dma_start3A_578] : memref<8x50x128xf32, #tpu.memory_space<vmem>> -> memref<1x50x128xf32, #tpu.memory_space<vmem>>
      %dma_start3A_580 = tpu.memref_squeeze %dma_start3A_579 : memref<1x50x128xf32, #tpu.memory_space<vmem>> -> memref<50x128xf32, #tpu.memory_space<vmem>>
      %dma_start3A_581 = arith.constant 0 : i32
      %dma_start3A_582 = arith.constant 0 : i32
      %dma_start3A_583 = tpu.memref_slice %arg4[%add3A_575, %dma_start3A_581, %dma_start3A_582] : memref<4096x50x128xf32, #tpu.memory_space<hbm>> -> memref<1x50x128xf32, #tpu.memory_space<hbm>>
      %dma_start3A_584 = tpu.memref_squeeze %dma_start3A_583 : memref<1x50x128xf32, #tpu.memory_space<hbm>> -> memref<50x128xf32, #tpu.memory_space<hbm>>
      %dma_start3A_585 = arith.constant 0 : i32
      %dma_start3A_586 = arith.constant 0 : i32
      %dma_start3A_587 = tpu.memref_slice %arg4[%add3A_575, %dma_start3A_585, %dma_start3A_586] : memref<4096x50x128xf32, #tpu.memory_space<hbm>> -> memref<1x50x128xf32, #tpu.memory_space<hbm>>
      %dma_start3A_588 = tpu.memref_squeeze %dma_start3A_587 : memref<1x50x128xf32, #tpu.memory_space<hbm>> -> memref<50x128xf32, #tpu.memory_space<hbm>>
      %dma_start3A_589 = arith.constant 0 : i32
      %dma_start3A_590 = arith.constant 0 : i32
      %dma_start3A_591 = tpu.memref_slice %arg6[%dma_start3A_576, %dma_start3A_589, %dma_start3A_590] : memref<8x50x128xf32, #tpu.memory_space<vmem>> -> memref<1x50x128xf32, #tpu.memory_space<vmem>>
      %dma_start3A_592 = tpu.memref_squeeze %dma_start3A_591 : memref<1x50x128xf32, #tpu.memory_space<vmem>> -> memref<50x128xf32, #tpu.memory_space<vmem>>
      tpu.enqueue_dma source(%dma_start3A_592 : memref<50x128xf32, #tpu.memory_space<vmem>>) target(%dma_start3A_588 : memref<50x128xf32, #tpu.memory_space<hbm>>) target_semaphore(%arg17 : memref<!tpu.dma_semaphore, #tpu.memory_space<semaphore_mem>>)
      %dma_wait3A_593 = arith.constant 0 : i32
      %dma_wait3A_594 = arith.constant 3 : i32
      %dma_wait3A_595 = arith.constant 0 : i32
      %dma_wait3A_596 = arith.constant 0 : i32
      %dma_wait3A_597 = tpu.memref_slice %arg6[%dma_wait3A_594, %dma_wait3A_595, %dma_wait3A_596] : memref<8x50x128xf32, #tpu.memory_space<vmem>> -> memref<1x50x128xf32, #tpu.memory_space<vmem>>
      %dma_wait3A_598 = tpu.memref_squeeze %dma_wait3A_597 : memref<1x50x128xf32, #tpu.memory_space<vmem>> -> memref<50x128xf32, #tpu.memory_space<vmem>>
      %dma_wait3A_599 = arith.constant 0 : i32
      %dma_wait3A_600 = tpu.memref_slice %arg5[%dma_wait3A_593, %dma_wait3A_599] : memref<128x50xi32, #tpu.memory_space<vmem>> -> memref<1x50xi32, #tpu.memory_space<vmem>>
      %dma_wait3A_601 = tpu.memref_squeeze %dma_wait3A_600 : memref<1x50xi32, #tpu.memory_space<vmem>> -> memref<50xi32, #tpu.memory_space<vmem>>
      %dma_wait3A_602 = arith.constant 0 : i32
      %dma_wait3A_603 = arith.constant 0 : i32
      %dma_wait3A_604 = tpu.memref_slice %arg3[%dma_wait3A_602, %dma_wait3A_603] : memref<100000x128xf32, #tpu.memory_space<hbm>> -> memref<100000x128xf32, #tpu.memory_space<hbm>>
      tpu.wait_indirect_dma semaphore(%arg10 : memref<!tpu.dma_semaphore, #tpu.memory_space<semaphore_mem>>) src(%dma_wait3A_604 : memref<100000x128xf32, #tpu.memory_space<hbm>>) dst(%dma_wait3A_598 : memref<50x128xf32, #tpu.memory_space<vmem>>)
      %add3A_605 = arith.constant 3 : i32
      %add3A_606 = arith.addi %mul3A_496, %add3A_605 : i32
      %add3A_607 = arith.addi %mul3A_2, %add3A_606 : i32
      %dma_start3A_608 = arith.constant 3 : i32
      %dma_start3A_609 = arith.constant 0 : i32
      %dma_start3A_610 = arith.constant 0 : i32
      %dma_start3A_611 = tpu.memref_slice %arg6[%dma_start3A_608, %dma_start3A_609, %dma_start3A_610] : memref<8x50x128xf32, #tpu.memory_space<vmem>> -> memref<1x50x128xf32, #tpu.memory_space<vmem>>
      %dma_start3A_612 = tpu.memref_squeeze %dma_start3A_611 : memref<1x50x128xf32, #tpu.memory_space<vmem>> -> memref<50x128xf32, #tpu.memory_space<vmem>>
      %dma_start3A_613 = arith.constant 0 : i32
      %dma_start3A_614 = arith.constant 0 : i32
      %dma_start3A_615 = tpu.memref_slice %arg4[%add3A_607, %dma_start3A_613, %dma_start3A_614] : memref<4096x50x128xf32, #tpu.memory_space<hbm>> -> memref<1x50x128xf32, #tpu.memory_space<hbm>>
      %dma_start3A_616 = tpu.memref_squeeze %dma_start3A_615 : memref<1x50x128xf32, #tpu.memory_space<hbm>> -> memref<50x128xf32, #tpu.memory_space<hbm>>
      %dma_start3A_617 = arith.constant 0 : i32
      %dma_start3A_618 = arith.constant 0 : i32
      %dma_start3A_619 = tpu.memref_slice %arg4[%add3A_607, %dma_start3A_617, %dma_start3A_618] : memref<4096x50x128xf32, #tpu.memory_space<hbm>> -> memref<1x50x128xf32, #tpu.memory_space<hbm>>
      %dma_start3A_620 = tpu.memref_squeeze %dma_start3A_619 : memref<1x50x128xf32, #tpu.memory_space<hbm>> -> memref<50x128xf32, #tpu.memory_space<hbm>>
      %dma_start3A_621 = arith.constant 0 : i32
      %dma_start3A_622 = arith.constant 0 : i32
      %dma_start3A_623 = tpu.memref_slice %arg6[%dma_start3A_608, %dma_start3A_621, %dma_start3A_622] : memref<8x50x128xf32, #tpu.memory_space<vmem>> -> memref<1x50x128xf32, #tpu.memory_space<vmem>>
      %dma_start3A_624 = tpu.memref_squeeze %dma_start3A_623 : memref<1x50x128xf32, #tpu.memory_space<vmem>> -> memref<50x128xf32, #tpu.memory_space<vmem>>
      tpu.enqueue_dma source(%dma_start3A_624 : memref<50x128xf32, #tpu.memory_space<vmem>>) target(%dma_start3A_620 : memref<50x128xf32, #tpu.memory_space<hbm>>) target_semaphore(%arg18 : memref<!tpu.dma_semaphore, #tpu.memory_space<semaphore_mem>>)
      %dma_wait3A_625 = arith.constant 0 : i32
      %dma_wait3A_626 = arith.constant 4 : i32
      %dma_wait3A_627 = arith.constant 0 : i32
      %dma_wait3A_628 = arith.constant 0 : i32
      %dma_wait3A_629 = tpu.memref_slice %arg6[%dma_wait3A_626, %dma_wait3A_627, %dma_wait3A_628] : memref<8x50x128xf32, #tpu.memory_space<vmem>> -> memref<1x50x128xf32, #tpu.memory_space<vmem>>
      %dma_wait3A_630 = tpu.memref_squeeze %dma_wait3A_629 : memref<1x50x128xf32, #tpu.memory_space<vmem>> -> memref<50x128xf32, #tpu.memory_space<vmem>>
      %dma_wait3A_631 = arith.constant 0 : i32
      %dma_wait3A_632 = tpu.memref_slice %arg5[%dma_wait3A_625, %dma_wait3A_631] : memref<128x50xi32, #tpu.memory_space<vmem>> -> memref<1x50xi32, #tpu.memory_space<vmem>>
      %dma_wait3A_633 = tpu.memref_squeeze %dma_wait3A_632 : memref<1x50xi32, #tpu.memory_space<vmem>> -> memref<50xi32, #tpu.memory_space<vmem>>
      %dma_wait3A_634 = arith.constant 0 : i32
      %dma_wait3A_635 = arith.constant 0 : i32
      %dma_wait3A_636 = tpu.memref_slice %arg3[%dma_wait3A_634, %dma_wait3A_635] : memref<100000x128xf32, #tpu.memory_space<hbm>> -> memref<100000x128xf32, #tpu.memory_space<hbm>>
      tpu.wait_indirect_dma semaphore(%arg11 : memref<!tpu.dma_semaphore, #tpu.memory_space<semaphore_mem>>) src(%dma_wait3A_636 : memref<100000x128xf32, #tpu.memory_space<hbm>>) dst(%dma_wait3A_630 : memref<50x128xf32, #tpu.memory_space<vmem>>)
      %add3A_637 = arith.constant 4 : i32
      %add3A_638 = arith.addi %mul3A_496, %add3A_637 : i32
      %add3A_639 = arith.addi %mul3A_2, %add3A_638 : i32
      %dma_start3A_640 = arith.constant 4 : i32
      %dma_start3A_641 = arith.constant 0 : i32
      %dma_start3A_642 = arith.constant 0 : i32
      %dma_start3A_643 = tpu.memref_slice %arg6[%dma_start3A_640, %dma_start3A_641, %dma_start3A_642] : memref<8x50x128xf32, #tpu.memory_space<vmem>> -> memref<1x50x128xf32, #tpu.memory_space<vmem>>
      %dma_start3A_644 = tpu.memref_squeeze %dma_start3A_643 : memref<1x50x128xf32, #tpu.memory_space<vmem>> -> memref<50x128xf32, #tpu.memory_space<vmem>>
      %dma_start3A_645 = arith.constant 0 : i32
      %dma_start3A_646 = arith.constant 0 : i32
      %dma_start3A_647 = tpu.memref_slice %arg4[%add3A_639, %dma_start3A_645, %dma_start3A_646] : memref<4096x50x128xf32, #tpu.memory_space<hbm>> -> memref<1x50x128xf32, #tpu.memory_space<hbm>>
      %dma_start3A_648 = tpu.memref_squeeze %dma_start3A_647 : memref<1x50x128xf32, #tpu.memory_space<hbm>> -> memref<50x128xf32, #tpu.memory_space<hbm>>
      %dma_start3A_649 = arith.constant 0 : i32
      %dma_start3A_650 = arith.constant 0 : i32
      %dma_start3A_651 = tpu.memref_slice %arg4[%add3A_639, %dma_start3A_649, %dma_start3A_650] : memref<4096x50x128xf32, #tpu.memory_space<hbm>> -> memref<1x50x128xf32, #tpu.memory_space<hbm>>
      %dma_start3A_652 = tpu.memref_squeeze %dma_start3A_651 : memref<1x50x128xf32, #tpu.memory_space<hbm>> -> memref<50x128xf32, #tpu.memory_space<hbm>>
      %dma_start3A_653 = arith.constant 0 : i32
      %dma_start3A_654 = arith.constant 0 : i32
      %dma_start3A_655 = tpu.memref_slice %arg6[%dma_start3A_640, %dma_start3A_653, %dma_start3A_654] : memref<8x50x128xf32, #tpu.memory_space<vmem>> -> memref<1x50x128xf32, #tpu.memory_space<vmem>>
      %dma_start3A_656 = tpu.memref_squeeze %dma_start3A_655 : memref<1x50x128xf32, #tpu.memory_space<vmem>> -> memref<50x128xf32, #tpu.memory_space<vmem>>
      tpu.enqueue_dma source(%dma_start3A_656 : memref<50x128xf32, #tpu.memory_space<vmem>>) target(%dma_start3A_652 : memref<50x128xf32, #tpu.memory_space<hbm>>) target_semaphore(%arg19 : memref<!tpu.dma_semaphore, #tpu.memory_space<semaphore_mem>>)
      %dma_wait3A_657 = arith.constant 0 : i32
      %dma_wait3A_658 = arith.constant 5 : i32
      %dma_wait3A_659 = arith.constant 0 : i32
      %dma_wait3A_660 = arith.constant 0 : i32
      %dma_wait3A_661 = tpu.memref_slice %arg6[%dma_wait3A_658, %dma_wait3A_659, %dma_wait3A_660] : memref<8x50x128xf32, #tpu.memory_space<vmem>> -> memref<1x50x128xf32, #tpu.memory_space<vmem>>
      %dma_wait3A_662 = tpu.memref_squeeze %dma_wait3A_661 : memref<1x50x128xf32, #tpu.memory_space<vmem>> -> memref<50x128xf32, #tpu.memory_space<vmem>>
      %dma_wait3A_663 = arith.constant 0 : i32
      %dma_wait3A_664 = tpu.memref_slice %arg5[%dma_wait3A_657, %dma_wait3A_663] : memref<128x50xi32, #tpu.memory_space<vmem>> -> memref<1x50xi32, #tpu.memory_space<vmem>>
      %dma_wait3A_665 = tpu.memref_squeeze %dma_wait3A_664 : memref<1x50xi32, #tpu.memory_space<vmem>> -> memref<50xi32, #tpu.memory_space<vmem>>
      %dma_wait3A_666 = arith.constant 0 : i32
      %dma_wait3A_667 = arith.constant 0 : i32
      %dma_wait3A_668 = tpu.memref_slice %arg3[%dma_wait3A_666, %dma_wait3A_667] : memref<100000x128xf32, #tpu.memory_space<hbm>> -> memref<100000x128xf32, #tpu.memory_space<hbm>>
      tpu.wait_indirect_dma semaphore(%arg12 : memref<!tpu.dma_semaphore, #tpu.memory_space<semaphore_mem>>) src(%dma_wait3A_668 : memref<100000x128xf32, #tpu.memory_space<hbm>>) dst(%dma_wait3A_662 : memref<50x128xf32, #tpu.memory_space<vmem>>)
      %add3A_669 = arith.constant 5 : i32
      %add3A_670 = arith.addi %mul3A_496, %add3A_669 : i32
      %add3A_671 = arith.addi %mul3A_2, %add3A_670 : i32
      %dma_start3A_672 = arith.constant 5 : i32
      %dma_start3A_673 = arith.constant 0 : i32
      %dma_start3A_674 = arith.constant 0 : i32
      %dma_start3A_675 = tpu.memref_slice %arg6[%dma_start3A_672, %dma_start3A_673, %dma_start3A_674] : memref<8x50x128xf32, #tpu.memory_space<vmem>> -> memref<1x50x128xf32, #tpu.memory_space<vmem>>
      %dma_start3A_676 = tpu.memref_squeeze %dma_start3A_675 : memref<1x50x128xf32, #tpu.memory_space<vmem>> -> memref<50x128xf32, #tpu.memory_space<vmem>>
      %dma_start3A_677 = arith.constant 0 : i32
      %dma_start3A_678 = arith.constant 0 : i32
      %dma_start3A_679 = tpu.memref_slice %arg4[%add3A_671, %dma_start3A_677, %dma_start3A_678] : memref<4096x50x128xf32, #tpu.memory_space<hbm>> -> memref<1x50x128xf32, #tpu.memory_space<hbm>>
      %dma_start3A_680 = tpu.memref_squeeze %dma_start3A_679 : memref<1x50x128xf32, #tpu.memory_space<hbm>> -> memref<50x128xf32, #tpu.memory_space<hbm>>
      %dma_start3A_681 = arith.constant 0 : i32
      %dma_start3A_682 = arith.constant 0 : i32
      %dma_start3A_683 = tpu.memref_slice %arg4[%add3A_671, %dma_start3A_681, %dma_start3A_682] : memref<4096x50x128xf32, #tpu.memory_space<hbm>> -> memref<1x50x128xf32, #tpu.memory_space<hbm>>
      %dma_start3A_684 = tpu.memref_squeeze %dma_start3A_683 : memref<1x50x128xf32, #tpu.memory_space<hbm>> -> memref<50x128xf32, #tpu.memory_space<hbm>>
      %dma_start3A_685 = arith.constant 0 : i32
      %dma_start3A_686 = arith.constant 0 : i32
      %dma_start3A_687 = tpu.memref_slice %arg6[%dma_start3A_672, %dma_start3A_685, %dma_start3A_686] : memref<8x50x128xf32, #tpu.memory_space<vmem>> -> memref<1x50x128xf32, #tpu.memory_space<vmem>>
      %dma_start3A_688 = tpu.memref_squeeze %dma_start3A_687 : memref<1x50x128xf32, #tpu.memory_space<vmem>> -> memref<50x128xf32, #tpu.memory_space<vmem>>
      tpu.enqueue_dma source(%dma_start3A_688 : memref<50x128xf32, #tpu.memory_space<vmem>>) target(%dma_start3A_684 : memref<50x128xf32, #tpu.memory_space<hbm>>) target_semaphore(%arg20 : memref<!tpu.dma_semaphore, #tpu.memory_space<semaphore_mem>>)
      %dma_wait3A_689 = arith.constant 0 : i32
      %dma_wait3A_690 = arith.constant 6 : i32
      %dma_wait3A_691 = arith.constant 0 : i32
      %dma_wait3A_692 = arith.constant 0 : i32
      %dma_wait3A_693 = tpu.memref_slice %arg6[%dma_wait3A_690, %dma_wait3A_691, %dma_wait3A_692] : memref<8x50x128xf32, #tpu.memory_space<vmem>> -> memref<1x50x128xf32, #tpu.memory_space<vmem>>
      %dma_wait3A_694 = tpu.memref_squeeze %dma_wait3A_693 : memref<1x50x128xf32, #tpu.memory_space<vmem>> -> memref<50x128xf32, #tpu.memory_space<vmem>>
      %dma_wait3A_695 = arith.constant 0 : i32
      %dma_wait3A_696 = tpu.memref_slice %arg5[%dma_wait3A_689, %dma_wait3A_695] : memref<128x50xi32, #tpu.memory_space<vmem>> -> memref<1x50xi32, #tpu.memory_space<vmem>>
      %dma_wait3A_697 = tpu.memref_squeeze %dma_wait3A_696 : memref<1x50xi32, #tpu.memory_space<vmem>> -> memref<50xi32, #tpu.memory_space<vmem>>
      %dma_wait3A_698 = arith.constant 0 : i32
      %dma_wait3A_699 = arith.constant 0 : i32
      %dma_wait3A_700 = tpu.memref_slice %arg3[%dma_wait3A_698, %dma_wait3A_699] : memref<100000x128xf32, #tpu.memory_space<hbm>> -> memref<100000x128xf32, #tpu.memory_space<hbm>>
      tpu.wait_indirect_dma semaphore(%arg13 : memref<!tpu.dma_semaphore, #tpu.memory_space<semaphore_mem>>) src(%dma_wait3A_700 : memref<100000x128xf32, #tpu.memory_space<hbm>>) dst(%dma_wait3A_694 : memref<50x128xf32, #tpu.memory_space<vmem>>)
      %add3A_701 = arith.constant 6 : i32
      %add3A_702 = arith.addi %mul3A_496, %add3A_701 : i32
      %add3A_703 = arith.addi %mul3A_2, %add3A_702 : i32
      %dma_start3A_704 = arith.constant 6 : i32
      %dma_start3A_705 = arith.constant 0 : i32
      %dma_start3A_706 = arith.constant 0 : i32
      %dma_start3A_707 = tpu.memref_slice %arg6[%dma_start3A_704, %dma_start3A_705, %dma_start3A_706] : memref<8x50x128xf32, #tpu.memory_space<vmem>> -> memref<1x50x128xf32, #tpu.memory_space<vmem>>
      %dma_start3A_708 = tpu.memref_squeeze %dma_start3A_707 : memref<1x50x128xf32, #tpu.memory_space<vmem>> -> memref<50x128xf32, #tpu.memory_space<vmem>>
      %dma_start3A_709 = arith.constant 0 : i32
      %dma_start3A_710 = arith.constant 0 : i32
      %dma_start3A_711 = tpu.memref_slice %arg4[%add3A_703, %dma_start3A_709, %dma_start3A_710] : memref<4096x50x128xf32, #tpu.memory_space<hbm>> -> memref<1x50x128xf32, #tpu.memory_space<hbm>>
      %dma_start3A_712 = tpu.memref_squeeze %dma_start3A_711 : memref<1x50x128xf32, #tpu.memory_space<hbm>> -> memref<50x128xf32, #tpu.memory_space<hbm>>
      %dma_start3A_713 = arith.constant 0 : i32
      %dma_start3A_714 = arith.constant 0 : i32
      %dma_start3A_715 = tpu.memref_slice %arg4[%add3A_703, %dma_start3A_713, %dma_start3A_714] : memref<4096x50x128xf32, #tpu.memory_space<hbm>> -> memref<1x50x128xf32, #tpu.memory_space<hbm>>
      %dma_start3A_716 = tpu.memref_squeeze %dma_start3A_715 : memref<1x50x128xf32, #tpu.memory_space<hbm>> -> memref<50x128xf32, #tpu.memory_space<hbm>>
      %dma_start3A_717 = arith.constant 0 : i32
      %dma_start3A_718 = arith.constant 0 : i32
      %dma_start3A_719 = tpu.memref_slice %arg6[%dma_start3A_704, %dma_start3A_717, %dma_start3A_718] : memref<8x50x128xf32, #tpu.memory_space<vmem>> -> memref<1x50x128xf32, #tpu.memory_space<vmem>>
      %dma_start3A_720 = tpu.memref_squeeze %dma_start3A_719 : memref<1x50x128xf32, #tpu.memory_space<vmem>> -> memref<50x128xf32, #tpu.memory_space<vmem>>
      tpu.enqueue_dma source(%dma_start3A_720 : memref<50x128xf32, #tpu.memory_space<vmem>>) target(%dma_start3A_716 : memref<50x128xf32, #tpu.memory_space<hbm>>) target_semaphore(%arg21 : memref<!tpu.dma_semaphore, #tpu.memory_space<semaphore_mem>>)
      %dma_wait3A_721 = arith.constant 0 : i32
      %dma_wait3A_722 = arith.constant 7 : i32
      %dma_wait3A_723 = arith.constant 0 : i32
      %dma_wait3A_724 = arith.constant 0 : i32
      %dma_wait3A_725 = tpu.memref_slice %arg6[%dma_wait3A_722, %dma_wait3A_723, %dma_wait3A_724] : memref<8x50x128xf32, #tpu.memory_space<vmem>> -> memref<1x50x128xf32, #tpu.memory_space<vmem>>
      %dma_wait3A_726 = tpu.memref_squeeze %dma_wait3A_725 : memref<1x50x128xf32, #tpu.memory_space<vmem>> -> memref<50x128xf32, #tpu.memory_space<vmem>>
      %dma_wait3A_727 = arith.constant 0 : i32
      %dma_wait3A_728 = tpu.memref_slice %arg5[%dma_wait3A_721, %dma_wait3A_727] : memref<128x50xi32, #tpu.memory_space<vmem>> -> memref<1x50xi32, #tpu.memory_space<vmem>>
      %dma_wait3A_729 = tpu.memref_squeeze %dma_wait3A_728 : memref<1x50xi32, #tpu.memory_space<vmem>> -> memref<50xi32, #tpu.memory_space<vmem>>
      %dma_wait3A_730 = arith.constant 0 : i32
      %dma_wait3A_731 = arith.constant 0 : i32
      %dma_wait3A_732 = tpu.memref_slice %arg3[%dma_wait3A_730, %dma_wait3A_731] : memref<100000x128xf32, #tpu.memory_space<hbm>> -> memref<100000x128xf32, #tpu.memory_space<hbm>>
      tpu.wait_indirect_dma semaphore(%arg14 : memref<!tpu.dma_semaphore, #tpu.memory_space<semaphore_mem>>) src(%dma_wait3A_732 : memref<100000x128xf32, #tpu.memory_space<hbm>>) dst(%dma_wait3A_726 : memref<50x128xf32, #tpu.memory_space<vmem>>)
      %add3A_733 = arith.constant 7 : i32
      %add3A_734 = arith.addi %mul3A_496, %add3A_733 : i32
      %add3A_735 = arith.addi %mul3A_2, %add3A_734 : i32
      %dma_start3A_736 = arith.constant 7 : i32
      %dma_start3A_737 = arith.constant 0 : i32
      %dma_start3A_738 = arith.constant 0 : i32
      %dma_start3A_739 = tpu.memref_slice %arg6[%dma_start3A_736, %dma_start3A_737, %dma_start3A_738] : memref<8x50x128xf32, #tpu.memory_space<vmem>> -> memref<1x50x128xf32, #tpu.memory_space<vmem>>
      %dma_start3A_740 = tpu.memref_squeeze %dma_start3A_739 : memref<1x50x128xf32, #tpu.memory_space<vmem>> -> memref<50x128xf32, #tpu.memory_space<vmem>>
      %dma_start3A_741 = arith.constant 0 : i32
      %dma_start3A_742 = arith.constant 0 : i32
      %dma_start3A_743 = tpu.memref_slice %arg4[%add3A_735, %dma_start3A_741, %dma_start3A_742] : memref<4096x50x128xf32, #tpu.memory_space<hbm>> -> memref<1x50x128xf32, #tpu.memory_space<hbm>>
      %dma_start3A_744 = tpu.memref_squeeze %dma_start3A_743 : memref<1x50x128xf32, #tpu.memory_space<hbm>> -> memref<50x128xf32, #tpu.memory_space<hbm>>
      %dma_start3A_745 = arith.constant 0 : i32
      %dma_start3A_746 = arith.constant 0 : i32
      %dma_start3A_747 = tpu.memref_slice %arg4[%add3A_735, %dma_start3A_745, %dma_start3A_746] : memref<4096x50x128xf32, #tpu.memory_space<hbm>> -> memref<1x50x128xf32, #tpu.memory_space<hbm>>
      %dma_start3A_748 = tpu.memref_squeeze %dma_start3A_747 : memref<1x50x128xf32, #tpu.memory_space<hbm>> -> memref<50x128xf32, #tpu.memory_space<hbm>>
      %dma_start3A_749 = arith.constant 0 : i32
      %dma_start3A_750 = arith.constant 0 : i32
      %dma_start3A_751 = tpu.memref_slice %arg6[%dma_start3A_736, %dma_start3A_749, %dma_start3A_750] : memref<8x50x128xf32, #tpu.memory_space<vmem>> -> memref<1x50x128xf32, #tpu.memory_space<vmem>>
      %dma_start3A_752 = tpu.memref_squeeze %dma_start3A_751 : memref<1x50x128xf32, #tpu.memory_space<vmem>> -> memref<50x128xf32, #tpu.memory_space<vmem>>
      tpu.enqueue_dma source(%dma_start3A_752 : memref<50x128xf32, #tpu.memory_space<vmem>>) target(%dma_start3A_748 : memref<50x128xf32, #tpu.memory_space<hbm>>) target_semaphore(%arg22 : memref<!tpu.dma_semaphore, #tpu.memory_space<semaphore_mem>>)
      %dma_wait3A_753 = arith.constant 0 : i32
      %dma_wait3A_754 = arith.constant 0 : i32
      %dma_wait3A_755 = arith.constant 0 : i32
      %dma_wait3A_756 = arith.constant 0 : i32
      %dma_wait3A_757 = tpu.memref_slice %arg6[%dma_wait3A_753, %dma_wait3A_755, %dma_wait3A_756] : memref<8x50x128xf32, #tpu.memory_space<vmem>> -> memref<1x50x128xf32, #tpu.memory_space<vmem>>
      %dma_wait3A_758 = tpu.memref_squeeze %dma_wait3A_757 : memref<1x50x128xf32, #tpu.memory_space<vmem>> -> memref<50x128xf32, #tpu.memory_space<vmem>>
      %dma_wait3A_759 = arith.constant 0 : i32
      %dma_wait3A_760 = arith.constant 0 : i32
      %dma_wait3A_761 = tpu.memref_slice %arg4[%dma_wait3A_754, %dma_wait3A_759, %dma_wait3A_760] : memref<4096x50x128xf32, #tpu.memory_space<hbm>> -> memref<1x50x128xf32, #tpu.memory_space<hbm>>
      %dma_wait3A_762 = tpu.memref_squeeze %dma_wait3A_761 : memref<1x50x128xf32, #tpu.memory_space<hbm>> -> memref<50x128xf32, #tpu.memory_space<hbm>>
      %dma_wait3A_763 = arith.constant 0 : i32
      %dma_wait3A_764 = arith.constant 0 : i32
      %dma_wait3A_765 = tpu.memref_slice %arg4[%dma_wait3A_754, %dma_wait3A_763, %dma_wait3A_764] : memref<4096x50x128xf32, #tpu.memory_space<hbm>> -> memref<1x50x128xf32, #tpu.memory_space<hbm>>
      %dma_wait3A_766 = tpu.memref_squeeze %dma_wait3A_765 : memref<1x50x128xf32, #tpu.memory_space<hbm>> -> memref<50x128xf32, #tpu.memory_space<hbm>>
      %dma_wait3A_767 = arith.constant 0 : i32
      %dma_wait3A_768 = arith.constant 0 : i32
      %dma_wait3A_769 = tpu.memref_slice %arg6[%dma_wait3A_753, %dma_wait3A_767, %dma_wait3A_768] : memref<8x50x128xf32, #tpu.memory_space<vmem>> -> memref<1x50x128xf32, #tpu.memory_space<vmem>>
      %dma_wait3A_770 = tpu.memref_squeeze %dma_wait3A_769 : memref<1x50x128xf32, #tpu.memory_space<vmem>> -> memref<50x128xf32, #tpu.memory_space<vmem>>
      tpu.wait_dma2 semaphore(%arg15 : memref<!tpu.dma_semaphore, #tpu.memory_space<semaphore_mem>>) src(%dma_wait3A_770 : memref<50x128xf32, #tpu.memory_space<vmem>>) dst(%dma_wait3A_766 : memref<50x128xf32, #tpu.memory_space<hbm>>)
      %add3A_771 = arith.constant 8 : i32
      %add3A_772 = arith.addi %mul3A_496, %add3A_771 : i32
      %add3A_773 = arith.constant 0 : i32
      %add3A_774 = arith.addi %add3A_772, %add3A_773 : i32
      %dma_start3A_775 = arith.constant 0 : i32
      %dma_start3A_776 = arith.constant 0 : i32
      %dma_start3A_777 = arith.constant 0 : i32
      %dma_start3A_778 = tpu.memref_slice %arg6[%dma_start3A_775, %dma_start3A_776, %dma_start3A_777] : memref<8x50x128xf32, #tpu.memory_space<vmem>> -> memref<1x50x128xf32, #tpu.memory_space<vmem>>
      %dma_start3A_779 = tpu.memref_squeeze %dma_start3A_778 : memref<1x50x128xf32, #tpu.memory_space<vmem>> -> memref<50x128xf32, #tpu.memory_space<vmem>>
      %dma_start3A_780 = arith.constant 0 : i32
      %dma_start3A_781 = tpu.memref_slice %arg5[%add3A_774, %dma_start3A_780] : memref<128x50xi32, #tpu.memory_space<vmem>> -> memref<1x50xi32, #tpu.memory_space<vmem>>
      %dma_start3A_782 = tpu.memref_squeeze %dma_start3A_781 : memref<1x50xi32, #tpu.memory_space<vmem>> -> memref<50xi32, #tpu.memory_space<vmem>>
      %dma_start3A_783 = arith.constant 0 : i32
      %dma_start3A_784 = arith.constant 0 : i32
      %dma_start3A_785 = tpu.memref_slice %arg3[%dma_start3A_783, %dma_start3A_784] : memref<100000x128xf32, #tpu.memory_space<hbm>> -> memref<100000x128xf32, #tpu.memory_space<hbm>>
      tpu.enqueue_indirect_dma source(%dma_start3A_785 : memref<100000x128xf32, #tpu.memory_space<hbm>>) target(%dma_start3A_779 : memref<50x128xf32, #tpu.memory_space<vmem>>) offsets(%dma_start3A_782 : memref<50xi32, #tpu.memory_space<vmem>>) semaphore(%arg7 : memref<!tpu.dma_semaphore, #tpu.memory_space<semaphore_mem>>)
      %dma_wait3A_786 = arith.constant 1 : i32
      %dma_wait3A_787 = arith.constant 0 : i32
      %dma_wait3A_788 = arith.constant 0 : i32
      %dma_wait3A_789 = arith.constant 0 : i32
      %dma_wait3A_790 = tpu.memref_slice %arg6[%dma_wait3A_786, %dma_wait3A_788, %dma_wait3A_789] : memref<8x50x128xf32, #tpu.memory_space<vmem>> -> memref<1x50x128xf32, #tpu.memory_space<vmem>>
      %dma_wait3A_791 = tpu.memref_squeeze %dma_wait3A_790 : memref<1x50x128xf32, #tpu.memory_space<vmem>> -> memref<50x128xf32, #tpu.memory_space<vmem>>
      %dma_wait3A_792 = arith.constant 0 : i32
      %dma_wait3A_793 = arith.constant 0 : i32
      %dma_wait3A_794 = tpu.memref_slice %arg4[%dma_wait3A_787, %dma_wait3A_792, %dma_wait3A_793] : memref<4096x50x128xf32, #tpu.memory_space<hbm>> -> memref<1x50x128xf32, #tpu.memory_space<hbm>>
      %dma_wait3A_795 = tpu.memref_squeeze %dma_wait3A_794 : memref<1x50x128xf32, #tpu.memory_space<hbm>> -> memref<50x128xf32, #tpu.memory_space<hbm>>
      %dma_wait3A_796 = arith.constant 0 : i32
      %dma_wait3A_797 = arith.constant 0 : i32
      %dma_wait3A_798 = tpu.memref_slice %arg4[%dma_wait3A_787, %dma_wait3A_796, %dma_wait3A_797] : memref<4096x50x128xf32, #tpu.memory_space<hbm>> -> memref<1x50x128xf32, #tpu.memory_space<hbm>>
      %dma_wait3A_799 = tpu.memref_squeeze %dma_wait3A_798 : memref<1x50x128xf32, #tpu.memory_space<hbm>> -> memref<50x128xf32, #tpu.memory_space<hbm>>
      %dma_wait3A_800 = arith.constant 0 : i32
      %dma_wait3A_801 = arith.constant 0 : i32
      %dma_wait3A_802 = tpu.memref_slice %arg6[%dma_wait3A_786, %dma_wait3A_800, %dma_wait3A_801] : memref<8x50x128xf32, #tpu.memory_space<vmem>> -> memref<1x50x128xf32, #tpu.memory_space<vmem>>
      %dma_wait3A_803 = tpu.memref_squeeze %dma_wait3A_802 : memref<1x50x128xf32, #tpu.memory_space<vmem>> -> memref<50x128xf32, #tpu.memory_space<vmem>>
      tpu.wait_dma2 semaphore(%arg16 : memref<!tpu.dma_semaphore, #tpu.memory_space<semaphore_mem>>) src(%dma_wait3A_803 : memref<50x128xf32, #tpu.memory_space<vmem>>) dst(%dma_wait3A_799 : memref<50x128xf32, #tpu.memory_space<hbm>>)
      %add3A_804 = arith.constant 8 : i32
      %add3A_805 = arith.addi %mul3A_496, %add3A_804 : i32
      %add3A_806 = arith.constant 1 : i32
      %add3A_807 = arith.addi %add3A_805, %add3A_806 : i32
      %dma_start3A_808 = arith.constant 1 : i32
      %dma_start3A_809 = arith.constant 0 : i32
      %dma_start3A_810 = arith.constant 0 : i32
      %dma_start3A_811 = tpu.memref_slice %arg6[%dma_start3A_808, %dma_start3A_809, %dma_start3A_810] : memref<8x50x128xf32, #tpu.memory_space<vmem>> -> memref<1x50x128xf32, #tpu.memory_space<vmem>>
      %dma_start3A_812 = tpu.memref_squeeze %dma_start3A_811 : memref<1x50x128xf32, #tpu.memory_space<vmem>> -> memref<50x128xf32, #tpu.memory_space<vmem>>
      %dma_start3A_813 = arith.constant 0 : i32
      %dma_start3A_814 = tpu.memref_slice %arg5[%add3A_807, %dma_start3A_813] : memref<128x50xi32, #tpu.memory_space<vmem>> -> memref<1x50xi32, #tpu.memory_space<vmem>>
      %dma_start3A_815 = tpu.memref_squeeze %dma_start3A_814 : memref<1x50xi32, #tpu.memory_space<vmem>> -> memref<50xi32, #tpu.memory_space<vmem>>
      %dma_start3A_816 = arith.constant 0 : i32
      %dma_start3A_817 = arith.constant 0 : i32
      %dma_start3A_818 = tpu.memref_slice %arg3[%dma_start3A_816, %dma_start3A_817] : memref<100000x128xf32, #tpu.memory_space<hbm>> -> memref<100000x128xf32, #tpu.memory_space<hbm>>
      tpu.enqueue_indirect_dma source(%dma_start3A_818 : memref<100000x128xf32, #tpu.memory_space<hbm>>) target(%dma_start3A_812 : memref<50x128xf32, #tpu.memory_space<vmem>>) offsets(%dma_start3A_815 : memref<50xi32, #tpu.memory_space<vmem>>) semaphore(%arg8 : memref<!tpu.dma_semaphore, #tpu.memory_space<semaphore_mem>>)
      %dma_wait3A_819 = arith.constant 2 : i32
      %dma_wait3A_820 = arith.constant 0 : i32
      %dma_wait3A_821 = arith.constant 0 : i32
      %dma_wait3A_822 = arith.constant 0 : i32
      %dma_wait3A_823 = tpu.memref_slice %arg6[%dma_wait3A_819, %dma_wait3A_821, %dma_wait3A_822] : memref<8x50x128xf32, #tpu.memory_space<vmem>> -> memref<1x50x128xf32, #tpu.memory_space<vmem>>
      %dma_wait3A_824 = tpu.memref_squeeze %dma_wait3A_823 : memref<1x50x128xf32, #tpu.memory_space<vmem>> -> memref<50x128xf32, #tpu.memory_space<vmem>>
      %dma_wait3A_825 = arith.constant 0 : i32
      %dma_wait3A_826 = arith.constant 0 : i32
      %dma_wait3A_827 = tpu.memref_slice %arg4[%dma_wait3A_820, %dma_wait3A_825, %dma_wait3A_826] : memref<4096x50x128xf32, #tpu.memory_space<hbm>> -> memref<1x50x128xf32, #tpu.memory_space<hbm>>
      %dma_wait3A_828 = tpu.memref_squeeze %dma_wait3A_827 : memref<1x50x128xf32, #tpu.memory_space<hbm>> -> memref<50x128xf32, #tpu.memory_space<hbm>>
      %dma_wait3A_829 = arith.constant 0 : i32
      %dma_wait3A_830 = arith.constant 0 : i32
      %dma_wait3A_831 = tpu.memref_slice %arg4[%dma_wait3A_820, %dma_wait3A_829, %dma_wait3A_830] : memref<4096x50x128xf32, #tpu.memory_space<hbm>> -> memref<1x50x128xf32, #tpu.memory_space<hbm>>
      %dma_wait3A_832 = tpu.memref_squeeze %dma_wait3A_831 : memref<1x50x128xf32, #tpu.memory_space<hbm>> -> memref<50x128xf32, #tpu.memory_space<hbm>>
      %dma_wait3A_833 = arith.constant 0 : i32
      %dma_wait3A_834 = arith.constant 0 : i32
      %dma_wait3A_835 = tpu.memref_slice %arg6[%dma_wait3A_819, %dma_wait3A_833, %dma_wait3A_834] : memref<8x50x128xf32, #tpu.memory_space<vmem>> -> memref<1x50x128xf32, #tpu.memory_space<vmem>>
      %dma_wait3A_836 = tpu.memref_squeeze %dma_wait3A_835 : memref<1x50x128xf32, #tpu.memory_space<vmem>> -> memref<50x128xf32, #tpu.memory_space<vmem>>
      tpu.wait_dma2 semaphore(%arg17 : memref<!tpu.dma_semaphore, #tpu.memory_space<semaphore_mem>>) src(%dma_wait3A_836 : memref<50x128xf32, #tpu.memory_space<vmem>>) dst(%dma_wait3A_832 : memref<50x128xf32, #tpu.memory_space<hbm>>)
      %add3A_837 = arith.constant 8 : i32
      %add3A_838 = arith.addi %mul3A_496, %add3A_837 : i32
      %add3A_839 = arith.constant 2 : i32
      %add3A_840 = arith.addi %add3A_838, %add3A_839 : i32
      %dma_start3A_841 = arith.constant 2 : i32
      %dma_start3A_842 = arith.constant 0 : i32
      %dma_start3A_843 = arith.constant 0 : i32
      %dma_start3A_844 = tpu.memref_slice %arg6[%dma_start3A_841, %dma_start3A_842, %dma_start3A_843] : memref<8x50x128xf32, #tpu.memory_space<vmem>> -> memref<1x50x128xf32, #tpu.memory_space<vmem>>
      %dma_start3A_845 = tpu.memref_squeeze %dma_start3A_844 : memref<1x50x128xf32, #tpu.memory_space<vmem>> -> memref<50x128xf32, #tpu.memory_space<vmem>>
      %dma_start3A_846 = arith.constant 0 : i32
      %dma_start3A_847 = tpu.memref_slice %arg5[%add3A_840, %dma_start3A_846] : memref<128x50xi32, #tpu.memory_space<vmem>> -> memref<1x50xi32, #tpu.memory_space<vmem>>
      %dma_start3A_848 = tpu.memref_squeeze %dma_start3A_847 : memref<1x50xi32, #tpu.memory_space<vmem>> -> memref<50xi32, #tpu.memory_space<vmem>>
      %dma_start3A_849 = arith.constant 0 : i32
      %dma_start3A_850 = arith.constant 0 : i32
      %dma_start3A_851 = tpu.memref_slice %arg3[%dma_start3A_849, %dma_start3A_850] : memref<100000x128xf32, #tpu.memory_space<hbm>> -> memref<100000x128xf32, #tpu.memory_space<hbm>>
      tpu.enqueue_indirect_dma source(%dma_start3A_851 : memref<100000x128xf32, #tpu.memory_space<hbm>>) target(%dma_start3A_845 : memref<50x128xf32, #tpu.memory_space<vmem>>) offsets(%dma_start3A_848 : memref<50xi32, #tpu.memory_space<vmem>>) semaphore(%arg9 : memref<!tpu.dma_semaphore, #tpu.memory_space<semaphore_mem>>)
      %dma_wait3A_852 = arith.constant 3 : i32
      %dma_wait3A_853 = arith.constant 0 : i32
      %dma_wait3A_854 = arith.constant 0 : i32
      %dma_wait3A_855 = arith.constant 0 : i32
      %dma_wait3A_856 = tpu.memref_slice %arg6[%dma_wait3A_852, %dma_wait3A_854, %dma_wait3A_855] : memref<8x50x128xf32, #tpu.memory_space<vmem>> -> memref<1x50x128xf32, #tpu.memory_space<vmem>>
      %dma_wait3A_857 = tpu.memref_squeeze %dma_wait3A_856 : memref<1x50x128xf32, #tpu.memory_space<vmem>> -> memref<50x128xf32, #tpu.memory_space<vmem>>
      %dma_wait3A_858 = arith.constant 0 : i32
      %dma_wait3A_859 = arith.constant 0 : i32
      %dma_wait3A_860 = tpu.memref_slice %arg4[%dma_wait3A_853, %dma_wait3A_858, %dma_wait3A_859] : memref<4096x50x128xf32, #tpu.memory_space<hbm>> -> memref<1x50x128xf32, #tpu.memory_space<hbm>>
      %dma_wait3A_861 = tpu.memref_squeeze %dma_wait3A_860 : memref<1x50x128xf32, #tpu.memory_space<hbm>> -> memref<50x128xf32, #tpu.memory_space<hbm>>
      %dma_wait3A_862 = arith.constant 0 : i32
      %dma_wait3A_863 = arith.constant 0 : i32
      %dma_wait3A_864 = tpu.memref_slice %arg4[%dma_wait3A_853, %dma_wait3A_862, %dma_wait3A_863] : memref<4096x50x128xf32, #tpu.memory_space<hbm>> -> memref<1x50x128xf32, #tpu.memory_space<hbm>>
      %dma_wait3A_865 = tpu.memref_squeeze %dma_wait3A_864 : memref<1x50x128xf32, #tpu.memory_space<hbm>> -> memref<50x128xf32, #tpu.memory_space<hbm>>
      %dma_wait3A_866 = arith.constant 0 : i32
      %dma_wait3A_867 = arith.constant 0 : i32
      %dma_wait3A_868 = tpu.memref_slice %arg6[%dma_wait3A_852, %dma_wait3A_866, %dma_wait3A_867] : memref<8x50x128xf32, #tpu.memory_space<vmem>> -> memref<1x50x128xf32, #tpu.memory_space<vmem>>
      %dma_wait3A_869 = tpu.memref_squeeze %dma_wait3A_868 : memref<1x50x128xf32, #tpu.memory_space<vmem>> -> memref<50x128xf32, #tpu.memory_space<vmem>>
      tpu.wait_dma2 semaphore(%arg18 : memref<!tpu.dma_semaphore, #tpu.memory_space<semaphore_mem>>) src(%dma_wait3A_869 : memref<50x128xf32, #tpu.memory_space<vmem>>) dst(%dma_wait3A_865 : memref<50x128xf32, #tpu.memory_space<hbm>>)
      %add3A_870 = arith.constant 8 : i32
      %add3A_871 = arith.addi %mul3A_496, %add3A_870 : i32
      %add3A_872 = arith.constant 3 : i32
      %add3A_873 = arith.addi %add3A_871, %add3A_872 : i32
      %dma_start3A_874 = arith.constant 3 : i32
      %dma_start3A_875 = arith.constant 0 : i32
      %dma_start3A_876 = arith.constant 0 : i32
      %dma_start3A_877 = tpu.memref_slice %arg6[%dma_start3A_874, %dma_start3A_875, %dma_start3A_876] : memref<8x50x128xf32, #tpu.memory_space<vmem>> -> memref<1x50x128xf32, #tpu.memory_space<vmem>>
      %dma_start3A_878 = tpu.memref_squeeze %dma_start3A_877 : memref<1x50x128xf32, #tpu.memory_space<vmem>> -> memref<50x128xf32, #tpu.memory_space<vmem>>
      %dma_start3A_879 = arith.constant 0 : i32
      %dma_start3A_880 = tpu.memref_slice %arg5[%add3A_873, %dma_start3A_879] : memref<128x50xi32, #tpu.memory_space<vmem>> -> memref<1x50xi32, #tpu.memory_space<vmem>>
      %dma_start3A_881 = tpu.memref_squeeze %dma_start3A_880 : memref<1x50xi32, #tpu.memory_space<vmem>> -> memref<50xi32, #tpu.memory_space<vmem>>
      %dma_start3A_882 = arith.constant 0 : i32
      %dma_start3A_883 = arith.constant 0 : i32
      %dma_start3A_884 = tpu.memref_slice %arg3[%dma_start3A_882, %dma_start3A_883] : memref<100000x128xf32, #tpu.memory_space<hbm>> -> memref<100000x128xf32, #tpu.memory_space<hbm>>
      tpu.enqueue_indirect_dma source(%dma_start3A_884 : memref<100000x128xf32, #tpu.memory_space<hbm>>) target(%dma_start3A_878 : memref<50x128xf32, #tpu.memory_space<vmem>>) offsets(%dma_start3A_881 : memref<50xi32, #tpu.memory_space<vmem>>) semaphore(%arg10 : memref<!tpu.dma_semaphore, #tpu.memory_space<semaphore_mem>>)
      %dma_wait3A_885 = arith.constant 4 : i32
      %dma_wait3A_886 = arith.constant 0 : i32
      %dma_wait3A_887 = arith.constant 0 : i32
      %dma_wait3A_888 = arith.constant 0 : i32
      %dma_wait3A_889 = tpu.memref_slice %arg6[%dma_wait3A_885, %dma_wait3A_887, %dma_wait3A_888] : memref<8x50x128xf32, #tpu.memory_space<vmem>> -> memref<1x50x128xf32, #tpu.memory_space<vmem>>
      %dma_wait3A_890 = tpu.memref_squeeze %dma_wait3A_889 : memref<1x50x128xf32, #tpu.memory_space<vmem>> -> memref<50x128xf32, #tpu.memory_space<vmem>>
      %dma_wait3A_891 = arith.constant 0 : i32
      %dma_wait3A_892 = arith.constant 0 : i32
      %dma_wait3A_893 = tpu.memref_slice %arg4[%dma_wait3A_886, %dma_wait3A_891, %dma_wait3A_892] : memref<4096x50x128xf32, #tpu.memory_space<hbm>> -> memref<1x50x128xf32, #tpu.memory_space<hbm>>
      %dma_wait3A_894 = tpu.memref_squeeze %dma_wait3A_893 : memref<1x50x128xf32, #tpu.memory_space<hbm>> -> memref<50x128xf32, #tpu.memory_space<hbm>>
      %dma_wait3A_895 = arith.constant 0 : i32
      %dma_wait3A_896 = arith.constant 0 : i32
      %dma_wait3A_897 = tpu.memref_slice %arg4[%dma_wait3A_886, %dma_wait3A_895, %dma_wait3A_896] : memref<4096x50x128xf32, #tpu.memory_space<hbm>> -> memref<1x50x128xf32, #tpu.memory_space<hbm>>
      %dma_wait3A_898 = tpu.memref_squeeze %dma_wait3A_897 : memref<1x50x128xf32, #tpu.memory_space<hbm>> -> memref<50x128xf32, #tpu.memory_space<hbm>>
      %dma_wait3A_899 = arith.constant 0 : i32
      %dma_wait3A_900 = arith.constant 0 : i32
      %dma_wait3A_901 = tpu.memref_slice %arg6[%dma_wait3A_885, %dma_wait3A_899, %dma_wait3A_900] : memref<8x50x128xf32, #tpu.memory_space<vmem>> -> memref<1x50x128xf32, #tpu.memory_space<vmem>>
      %dma_wait3A_902 = tpu.memref_squeeze %dma_wait3A_901 : memref<1x50x128xf32, #tpu.memory_space<vmem>> -> memref<50x128xf32, #tpu.memory_space<vmem>>
      tpu.wait_dma2 semaphore(%arg19 : memref<!tpu.dma_semaphore, #tpu.memory_space<semaphore_mem>>) src(%dma_wait3A_902 : memref<50x128xf32, #tpu.memory_space<vmem>>) dst(%dma_wait3A_898 : memref<50x128xf32, #tpu.memory_space<hbm>>)
      %add3A_903 = arith.constant 8 : i32
      %add3A_904 = arith.addi %mul3A_496, %add3A_903 : i32
      %add3A_905 = arith.constant 4 : i32
      %add3A_906 = arith.addi %add3A_904, %add3A_905 : i32
      %dma_start3A_907 = arith.constant 4 : i32
      %dma_start3A_908 = arith.constant 0 : i32
      %dma_start3A_909 = arith.constant 0 : i32
      %dma_start3A_910 = tpu.memref_slice %arg6[%dma_start3A_907, %dma_start3A_908, %dma_start3A_909] : memref<8x50x128xf32, #tpu.memory_space<vmem>> -> memref<1x50x128xf32, #tpu.memory_space<vmem>>
      %dma_start3A_911 = tpu.memref_squeeze %dma_start3A_910 : memref<1x50x128xf32, #tpu.memory_space<vmem>> -> memref<50x128xf32, #tpu.memory_space<vmem>>
      %dma_start3A_912 = arith.constant 0 : i32
      %dma_start3A_913 = tpu.memref_slice %arg5[%add3A_906, %dma_start3A_912] : memref<128x50xi32, #tpu.memory_space<vmem>> -> memref<1x50xi32, #tpu.memory_space<vmem>>
      %dma_start3A_914 = tpu.memref_squeeze %dma_start3A_913 : memref<1x50xi32, #tpu.memory_space<vmem>> -> memref<50xi32, #tpu.memory_space<vmem>>
      %dma_start3A_915 = arith.constant 0 : i32
      %dma_start3A_916 = arith.constant 0 : i32
      %dma_start3A_917 = tpu.memref_slice %arg3[%dma_start3A_915, %dma_start3A_916] : memref<100000x128xf32, #tpu.memory_space<hbm>> -> memref<100000x128xf32, #tpu.memory_space<hbm>>
      tpu.enqueue_indirect_dma source(%dma_start3A_917 : memref<100000x128xf32, #tpu.memory_space<hbm>>) target(%dma_start3A_911 : memref<50x128xf32, #tpu.memory_space<vmem>>) offsets(%dma_start3A_914 : memref<50xi32, #tpu.memory_space<vmem>>) semaphore(%arg11 : memref<!tpu.dma_semaphore, #tpu.memory_space<semaphore_mem>>)
      %dma_wait3A_918 = arith.constant 5 : i32
      %dma_wait3A_919 = arith.constant 0 : i32
      %dma_wait3A_920 = arith.constant 0 : i32
      %dma_wait3A_921 = arith.constant 0 : i32
      %dma_wait3A_922 = tpu.memref_slice %arg6[%dma_wait3A_918, %dma_wait3A_920, %dma_wait3A_921] : memref<8x50x128xf32, #tpu.memory_space<vmem>> -> memref<1x50x128xf32, #tpu.memory_space<vmem>>
      %dma_wait3A_923 = tpu.memref_squeeze %dma_wait3A_922 : memref<1x50x128xf32, #tpu.memory_space<vmem>> -> memref<50x128xf32, #tpu.memory_space<vmem>>
      %dma_wait3A_924 = arith.constant 0 : i32
      %dma_wait3A_925 = arith.constant 0 : i32
      %dma_wait3A_926 = tpu.memref_slice %arg4[%dma_wait3A_919, %dma_wait3A_924, %dma_wait3A_925] : memref<4096x50x128xf32, #tpu.memory_space<hbm>> -> memref<1x50x128xf32, #tpu.memory_space<hbm>>
      %dma_wait3A_927 = tpu.memref_squeeze %dma_wait3A_926 : memref<1x50x128xf32, #tpu.memory_space<hbm>> -> memref<50x128xf32, #tpu.memory_space<hbm>>
      %dma_wait3A_928 = arith.constant 0 : i32
      %dma_wait3A_929 = arith.constant 0 : i32
      %dma_wait3A_930 = tpu.memref_slice %arg4[%dma_wait3A_919, %dma_wait3A_928, %dma_wait3A_929] : memref<4096x50x128xf32, #tpu.memory_space<hbm>> -> memref<1x50x128xf32, #tpu.memory_space<hbm>>
      %dma_wait3A_931 = tpu.memref_squeeze %dma_wait3A_930 : memref<1x50x128xf32, #tpu.memory_space<hbm>> -> memref<50x128xf32, #tpu.memory_space<hbm>>
      %dma_wait3A_932 = arith.constant 0 : i32
      %dma_wait3A_933 = arith.constant 0 : i32
      %dma_wait3A_934 = tpu.memref_slice %arg6[%dma_wait3A_918, %dma_wait3A_932, %dma_wait3A_933] : memref<8x50x128xf32, #tpu.memory_space<vmem>> -> memref<1x50x128xf32, #tpu.memory_space<vmem>>
      %dma_wait3A_935 = tpu.memref_squeeze %dma_wait3A_934 : memref<1x50x128xf32, #tpu.memory_space<vmem>> -> memref<50x128xf32, #tpu.memory_space<vmem>>
      tpu.wait_dma2 semaphore(%arg20 : memref<!tpu.dma_semaphore, #tpu.memory_space<semaphore_mem>>) src(%dma_wait3A_935 : memref<50x128xf32, #tpu.memory_space<vmem>>) dst(%dma_wait3A_931 : memref<50x128xf32, #tpu.memory_space<hbm>>)
      %add3A_936 = arith.constant 8 : i32
      %add3A_937 = arith.addi %mul3A_496, %add3A_936 : i32
      %add3A_938 = arith.constant 5 : i32
      %add3A_939 = arith.addi %add3A_937, %add3A_938 : i32
      %dma_start3A_940 = arith.constant 5 : i32
      %dma_start3A_941 = arith.constant 0 : i32
      %dma_start3A_942 = arith.constant 0 : i32
      %dma_start3A_943 = tpu.memref_slice %arg6[%dma_start3A_940, %dma_start3A_941, %dma_start3A_942] : memref<8x50x128xf32, #tpu.memory_space<vmem>> -> memref<1x50x128xf32, #tpu.memory_space<vmem>>
      %dma_start3A_944 = tpu.memref_squeeze %dma_start3A_943 : memref<1x50x128xf32, #tpu.memory_space<vmem>> -> memref<50x128xf32, #tpu.memory_space<vmem>>
      %dma_start3A_945 = arith.constant 0 : i32
      %dma_start3A_946 = tpu.memref_slice %arg5[%add3A_939, %dma_start3A_945] : memref<128x50xi32, #tpu.memory_space<vmem>> -> memref<1x50xi32, #tpu.memory_space<vmem>>
      %dma_start3A_947 = tpu.memref_squeeze %dma_start3A_946 : memref<1x50xi32, #tpu.memory_space<vmem>> -> memref<50xi32, #tpu.memory_space<vmem>>
      %dma_start3A_948 = arith.constant 0 : i32
      %dma_start3A_949 = arith.constant 0 : i32
      %dma_start3A_950 = tpu.memref_slice %arg3[%dma_start3A_948, %dma_start3A_949] : memref<100000x128xf32, #tpu.memory_space<hbm>> -> memref<100000x128xf32, #tpu.memory_space<hbm>>
      tpu.enqueue_indirect_dma source(%dma_start3A_950 : memref<100000x128xf32, #tpu.memory_space<hbm>>) target(%dma_start3A_944 : memref<50x128xf32, #tpu.memory_space<vmem>>) offsets(%dma_start3A_947 : memref<50xi32, #tpu.memory_space<vmem>>) semaphore(%arg12 : memref<!tpu.dma_semaphore, #tpu.memory_space<semaphore_mem>>)
      %dma_wait3A_951 = arith.constant 6 : i32
      %dma_wait3A_952 = arith.constant 0 : i32
      %dma_wait3A_953 = arith.constant 0 : i32
      %dma_wait3A_954 = arith.constant 0 : i32
      %dma_wait3A_955 = tpu.memref_slice %arg6[%dma_wait3A_951, %dma_wait3A_953, %dma_wait3A_954] : memref<8x50x128xf32, #tpu.memory_space<vmem>> -> memref<1x50x128xf32, #tpu.memory_space<vmem>>
      %dma_wait3A_956 = tpu.memref_squeeze %dma_wait3A_955 : memref<1x50x128xf32, #tpu.memory_space<vmem>> -> memref<50x128xf32, #tpu.memory_space<vmem>>
      %dma_wait3A_957 = arith.constant 0 : i32
      %dma_wait3A_958 = arith.constant 0 : i32
      %dma_wait3A_959 = tpu.memref_slice %arg4[%dma_wait3A_952, %dma_wait3A_957, %dma_wait3A_958] : memref<4096x50x128xf32, #tpu.memory_space<hbm>> -> memref<1x50x128xf32, #tpu.memory_space<hbm>>
      %dma_wait3A_960 = tpu.memref_squeeze %dma_wait3A_959 : memref<1x50x128xf32, #tpu.memory_space<hbm>> -> memref<50x128xf32, #tpu.memory_space<hbm>>
      %dma_wait3A_961 = arith.constant 0 : i32
      %dma_wait3A_962 = arith.constant 0 : i32
      %dma_wait3A_963 = tpu.memref_slice %arg4[%dma_wait3A_952, %dma_wait3A_961, %dma_wait3A_962] : memref<4096x50x128xf32, #tpu.memory_space<hbm>> -> memref<1x50x128xf32, #tpu.memory_space<hbm>>
      %dma_wait3A_964 = tpu.memref_squeeze %dma_wait3A_963 : memref<1x50x128xf32, #tpu.memory_space<hbm>> -> memref<50x128xf32, #tpu.memory_space<hbm>>
      %dma_wait3A_965 = arith.constant 0 : i32
      %dma_wait3A_966 = arith.constant 0 : i32
      %dma_wait3A_967 = tpu.memref_slice %arg6[%dma_wait3A_951, %dma_wait3A_965, %dma_wait3A_966] : memref<8x50x128xf32, #tpu.memory_space<vmem>> -> memref<1x50x128xf32, #tpu.memory_space<vmem>>
      %dma_wait3A_968 = tpu.memref_squeeze %dma_wait3A_967 : memref<1x50x128xf32, #tpu.memory_space<vmem>> -> memref<50x128xf32, #tpu.memory_space<vmem>>
      tpu.wait_dma2 semaphore(%arg21 : memref<!tpu.dma_semaphore, #tpu.memory_space<semaphore_mem>>) src(%dma_wait3A_968 : memref<50x128xf32, #tpu.memory_space<vmem>>) dst(%dma_wait3A_964 : memref<50x128xf32, #tpu.memory_space<hbm>>)
      %add3A_969 = arith.constant 8 : i32
      %add3A_970 = arith.addi %mul3A_496, %add3A_969 : i32
      %add3A_971 = arith.constant 6 : i32
      %add3A_972 = arith.addi %add3A_970, %add3A_971 : i32
      %dma_start3A_973 = arith.constant 6 : i32
      %dma_start3A_974 = arith.constant 0 : i32
      %dma_start3A_975 = arith.constant 0 : i32
      %dma_start3A_976 = tpu.memref_slice %arg6[%dma_start3A_973, %dma_start3A_974, %dma_start3A_975] : memref<8x50x128xf32, #tpu.memory_space<vmem>> -> memref<1x50x128xf32, #tpu.memory_space<vmem>>
      %dma_start3A_977 = tpu.memref_squeeze %dma_start3A_976 : memref<1x50x128xf32, #tpu.memory_space<vmem>> -> memref<50x128xf32, #tpu.memory_space<vmem>>
      %dma_start3A_978 = arith.constant 0 : i32
      %dma_start3A_979 = tpu.memref_slice %arg5[%add3A_972, %dma_start3A_978] : memref<128x50xi32, #tpu.memory_space<vmem>> -> memref<1x50xi32, #tpu.memory_space<vmem>>
      %dma_start3A_980 = tpu.memref_squeeze %dma_start3A_979 : memref<1x50xi32, #tpu.memory_space<vmem>> -> memref<50xi32, #tpu.memory_space<vmem>>
      %dma_start3A_981 = arith.constant 0 : i32
      %dma_start3A_982 = arith.constant 0 : i32
      %dma_start3A_983 = tpu.memref_slice %arg3[%dma_start3A_981, %dma_start3A_982] : memref<100000x128xf32, #tpu.memory_space<hbm>> -> memref<100000x128xf32, #tpu.memory_space<hbm>>
      tpu.enqueue_indirect_dma source(%dma_start3A_983 : memref<100000x128xf32, #tpu.memory_space<hbm>>) target(%dma_start3A_977 : memref<50x128xf32, #tpu.memory_space<vmem>>) offsets(%dma_start3A_980 : memref<50xi32, #tpu.memory_space<vmem>>) semaphore(%arg13 : memref<!tpu.dma_semaphore, #tpu.memory_space<semaphore_mem>>)
      %dma_wait3A_984 = arith.constant 7 : i32
      %dma_wait3A_985 = arith.constant 0 : i32
      %dma_wait3A_986 = arith.constant 0 : i32
      %dma_wait3A_987 = arith.constant 0 : i32
      %dma_wait3A_988 = tpu.memref_slice %arg6[%dma_wait3A_984, %dma_wait3A_986, %dma_wait3A_987] : memref<8x50x128xf32, #tpu.memory_space<vmem>> -> memref<1x50x128xf32, #tpu.memory_space<vmem>>
      %dma_wait3A_989 = tpu.memref_squeeze %dma_wait3A_988 : memref<1x50x128xf32, #tpu.memory_space<vmem>> -> memref<50x128xf32, #tpu.memory_space<vmem>>
      %dma_wait3A_990 = arith.constant 0 : i32
      %dma_wait3A_991 = arith.constant 0 : i32
      %dma_wait3A_992 = tpu.memref_slice %arg4[%dma_wait3A_985, %dma_wait3A_990, %dma_wait3A_991] : memref<4096x50x128xf32, #tpu.memory_space<hbm>> -> memref<1x50x128xf32, #tpu.memory_space<hbm>>
      %dma_wait3A_993 = tpu.memref_squeeze %dma_wait3A_992 : memref<1x50x128xf32, #tpu.memory_space<hbm>> -> memref<50x128xf32, #tpu.memory_space<hbm>>
      %dma_wait3A_994 = arith.constant 0 : i32
      %dma_wait3A_995 = arith.constant 0 : i32
      %dma_wait3A_996 = tpu.memref_slice %arg4[%dma_wait3A_985, %dma_wait3A_994, %dma_wait3A_995] : memref<4096x50x128xf32, #tpu.memory_space<hbm>> -> memref<1x50x128xf32, #tpu.memory_space<hbm>>
      %dma_wait3A_997 = tpu.memref_squeeze %dma_wait3A_996 : memref<1x50x128xf32, #tpu.memory_space<hbm>> -> memref<50x128xf32, #tpu.memory_space<hbm>>
      %dma_wait3A_998 = arith.constant 0 : i32
      %dma_wait3A_999 = arith.constant 0 : i32
      %dma_wait3A_1000 = tpu.memref_slice %arg6[%dma_wait3A_984, %dma_wait3A_998, %dma_wait3A_999] : memref<8x50x128xf32, #tpu.memory_space<vmem>> -> memref<1x50x128xf32, #tpu.memory_space<vmem>>
      %dma_wait3A_1001 = tpu.memref_squeeze %dma_wait3A_1000 : memref<1x50x128xf32, #tpu.memory_space<vmem>> -> memref<50x128xf32, #tpu.memory_space<vmem>>
      tpu.wait_dma2 semaphore(%arg22 : memref<!tpu.dma_semaphore, #tpu.memory_space<semaphore_mem>>) src(%dma_wait3A_1001 : memref<50x128xf32, #tpu.memory_space<vmem>>) dst(%dma_wait3A_997 : memref<50x128xf32, #tpu.memory_space<hbm>>)
      %add3A_1002 = arith.constant 8 : i32
      %add3A_1003 = arith.addi %mul3A_496, %add3A_1002 : i32
      %add3A_1004 = arith.constant 7 : i32
      %add3A_1005 = arith.addi %add3A_1003, %add3A_1004 : i32
      %dma_start3A_1006 = arith.constant 7 : i32
      %dma_start3A_1007 = arith.constant 0 : i32
      %dma_start3A_1008 = arith.constant 0 : i32
      %dma_start3A_1009 = tpu.memref_slice %arg6[%dma_start3A_1006, %dma_start3A_1007, %dma_start3A_1008] : memref<8x50x128xf32, #tpu.memory_space<vmem>> -> memref<1x50x128xf32, #tpu.memory_space<vmem>>
      %dma_start3A_1010 = tpu.memref_squeeze %dma_start3A_1009 : memref<1x50x128xf32, #tpu.memory_space<vmem>> -> memref<50x128xf32, #tpu.memory_space<vmem>>
      %dma_start3A_1011 = arith.constant 0 : i32
      %dma_start3A_1012 = tpu.memref_slice %arg5[%add3A_1005, %dma_start3A_1011] : memref<128x50xi32, #tpu.memory_space<vmem>> -> memref<1x50xi32, #tpu.memory_space<vmem>>
      %dma_start3A_1013 = tpu.memref_squeeze %dma_start3A_1012 : memref<1x50xi32, #tpu.memory_space<vmem>> -> memref<50xi32, #tpu.memory_space<vmem>>
      %dma_start3A_1014 = arith.constant 0 : i32
      %dma_start3A_1015 = arith.constant 0 : i32
      %dma_start3A_1016 = tpu.memref_slice %arg3[%dma_start3A_1014, %dma_start3A_1015] : memref<100000x128xf32, #tpu.memory_space<hbm>> -> memref<100000x128xf32, #tpu.memory_space<hbm>>
      tpu.enqueue_indirect_dma source(%dma_start3A_1016 : memref<100000x128xf32, #tpu.memory_space<hbm>>) target(%dma_start3A_1010 : memref<50x128xf32, #tpu.memory_space<vmem>>) offsets(%dma_start3A_1013 : memref<50xi32, #tpu.memory_space<vmem>>) semaphore(%arg14 : memref<!tpu.dma_semaphore, #tpu.memory_space<semaphore_mem>>)
    }
    %scan3A_102 = arith.constant 15 : i32
    %dma_wait3A = arith.constant 0 : i32
    %dma_wait3A_103 = arith.constant 0 : i32
    %dma_wait3A_104 = arith.constant 0 : i32
    %dma_wait3A_105 = arith.constant 0 : i32
    %dma_wait3A_106 = tpu.memref_slice %arg6[%dma_wait3A_103, %dma_wait3A_104, %dma_wait3A_105] : memref<8x50x128xf32, #tpu.memory_space<vmem>> -> memref<1x50x128xf32, #tpu.memory_space<vmem>>
    %dma_wait3A_107 = tpu.memref_squeeze %dma_wait3A_106 : memref<1x50x128xf32, #tpu.memory_space<vmem>> -> memref<50x128xf32, #tpu.memory_space<vmem>>
    %dma_wait3A_108 = arith.constant 0 : i32
    %dma_wait3A_109 = tpu.memref_slice %arg5[%dma_wait3A, %dma_wait3A_108] : memref<128x50xi32, #tpu.memory_space<vmem>> -> memref<1x50xi32, #tpu.memory_space<vmem>>
    %dma_wait3A_110 = tpu.memref_squeeze %dma_wait3A_109 : memref<1x50xi32, #tpu.memory_space<vmem>> -> memref<50xi32, #tpu.memory_space<vmem>>
    %dma_wait3A_111 = arith.constant 0 : i32
    %dma_wait3A_112 = arith.constant 0 : i32
    %dma_wait3A_113 = tpu.memref_slice %arg3[%dma_wait3A_111, %dma_wait3A_112] : memref<100000x128xf32, #tpu.memory_space<hbm>> -> memref<100000x128xf32, #tpu.memory_space<hbm>>
    tpu.wait_indirect_dma semaphore(%arg7 : memref<!tpu.dma_semaphore, #tpu.memory_space<semaphore_mem>>) src(%dma_wait3A_113 : memref<100000x128xf32, #tpu.memory_space<hbm>>) dst(%dma_wait3A_107 : memref<50x128xf32, #tpu.memory_space<vmem>>)
    %add3A_114 = arith.constant 120 : i32
    %add3A_115 = arith.addi %mul3A_2, %add3A_114 : i32
    %dma_start3A_116 = arith.constant 0 : i32
    %dma_start3A_117 = arith.constant 0 : i32
    %dma_start3A_118 = arith.constant 0 : i32
    %dma_start3A_119 = tpu.memref_slice %arg6[%dma_start3A_116, %dma_start3A_117, %dma_start3A_118] : memref<8x50x128xf32, #tpu.memory_space<vmem>> -> memref<1x50x128xf32, #tpu.memory_space<vmem>>
    %dma_start3A_120 = tpu.memref_squeeze %dma_start3A_119 : memref<1x50x128xf32, #tpu.memory_space<vmem>> -> memref<50x128xf32, #tpu.memory_space<vmem>>
    %dma_start3A_121 = arith.constant 0 : i32
    %dma_start3A_122 = arith.constant 0 : i32
    %dma_start3A_123 = tpu.memref_slice %arg4[%add3A_115, %dma_start3A_121, %dma_start3A_122] : memref<4096x50x128xf32, #tpu.memory_space<hbm>> -> memref<1x50x128xf32, #tpu.memory_space<hbm>>
    %dma_start3A_124 = tpu.memref_squeeze %dma_start3A_123 : memref<1x50x128xf32, #tpu.memory_space<hbm>> -> memref<50x128xf32, #tpu.memory_space<hbm>>
    %dma_start3A_125 = arith.constant 0 : i32
    %dma_start3A_126 = arith.constant 0 : i32
    %dma_start3A_127 = tpu.memref_slice %arg4[%add3A_115, %dma_start3A_125, %dma_start3A_126] : memref<4096x50x128xf32, #tpu.memory_space<hbm>> -> memref<1x50x128xf32, #tpu.memory_space<hbm>>
    %dma_start3A_128 = tpu.memref_squeeze %dma_start3A_127 : memref<1x50x128xf32, #tpu.memory_space<hbm>> -> memref<50x128xf32, #tpu.memory_space<hbm>>
    %dma_start3A_129 = arith.constant 0 : i32
    %dma_start3A_130 = arith.constant 0 : i32
    %dma_start3A_131 = tpu.memref_slice %arg6[%dma_start3A_116, %dma_start3A_129, %dma_start3A_130] : memref<8x50x128xf32, #tpu.memory_space<vmem>> -> memref<1x50x128xf32, #tpu.memory_space<vmem>>
    %dma_start3A_132 = tpu.memref_squeeze %dma_start3A_131 : memref<1x50x128xf32, #tpu.memory_space<vmem>> -> memref<50x128xf32, #tpu.memory_space<vmem>>
    tpu.enqueue_dma source(%dma_start3A_132 : memref<50x128xf32, #tpu.memory_space<vmem>>) target(%dma_start3A_128 : memref<50x128xf32, #tpu.memory_space<hbm>>) target_semaphore(%arg15 : memref<!tpu.dma_semaphore, #tpu.memory_space<semaphore_mem>>)
    %dma_wait3A_133 = arith.constant 0 : i32
    %dma_wait3A_134 = arith.constant 1 : i32
    %dma_wait3A_135 = arith.constant 0 : i32
    %dma_wait3A_136 = arith.constant 0 : i32
    %dma_wait3A_137 = tpu.memref_slice %arg6[%dma_wait3A_134, %dma_wait3A_135, %dma_wait3A_136] : memref<8x50x128xf32, #tpu.memory_space<vmem>> -> memref<1x50x128xf32, #tpu.memory_space<vmem>>
    %dma_wait3A_138 = tpu.memref_squeeze %dma_wait3A_137 : memref<1x50x128xf32, #tpu.memory_space<vmem>> -> memref<50x128xf32, #tpu.memory_space<vmem>>
    %dma_wait3A_139 = arith.constant 0 : i32
    %dma_wait3A_140 = tpu.memref_slice %arg5[%dma_wait3A_133, %dma_wait3A_139] : memref<128x50xi32, #tpu.memory_space<vmem>> -> memref<1x50xi32, #tpu.memory_space<vmem>>
    %dma_wait3A_141 = tpu.memref_squeeze %dma_wait3A_140 : memref<1x50xi32, #tpu.memory_space<vmem>> -> memref<50xi32, #tpu.memory_space<vmem>>
    %dma_wait3A_142 = arith.constant 0 : i32
    %dma_wait3A_143 = arith.constant 0 : i32
    %dma_wait3A_144 = tpu.memref_slice %arg3[%dma_wait3A_142, %dma_wait3A_143] : memref<100000x128xf32, #tpu.memory_space<hbm>> -> memref<100000x128xf32, #tpu.memory_space<hbm>>
    tpu.wait_indirect_dma semaphore(%arg8 : memref<!tpu.dma_semaphore, #tpu.memory_space<semaphore_mem>>) src(%dma_wait3A_144 : memref<100000x128xf32, #tpu.memory_space<hbm>>) dst(%dma_wait3A_138 : memref<50x128xf32, #tpu.memory_space<vmem>>)
    %add3A_145 = arith.constant 121 : i32
    %add3A_146 = arith.addi %mul3A_2, %add3A_145 : i32
    %dma_start3A_147 = arith.constant 1 : i32
    %dma_start3A_148 = arith.constant 0 : i32
    %dma_start3A_149 = arith.constant 0 : i32
    %dma_start3A_150 = tpu.memref_slice %arg6[%dma_start3A_147, %dma_start3A_148, %dma_start3A_149] : memref<8x50x128xf32, #tpu.memory_space<vmem>> -> memref<1x50x128xf32, #tpu.memory_space<vmem>>
    %dma_start3A_151 = tpu.memref_squeeze %dma_start3A_150 : memref<1x50x128xf32, #tpu.memory_space<vmem>> -> memref<50x128xf32, #tpu.memory_space<vmem>>
    %dma_start3A_152 = arith.constant 0 : i32
    %dma_start3A_153 = arith.constant 0 : i32
    %dma_start3A_154 = tpu.memref_slice %arg4[%add3A_146, %dma_start3A_152, %dma_start3A_153] : memref<4096x50x128xf32, #tpu.memory_space<hbm>> -> memref<1x50x128xf32, #tpu.memory_space<hbm>>
    %dma_start3A_155 = tpu.memref_squeeze %dma_start3A_154 : memref<1x50x128xf32, #tpu.memory_space<hbm>> -> memref<50x128xf32, #tpu.memory_space<hbm>>
    %dma_start3A_156 = arith.constant 0 : i32
    %dma_start3A_157 = arith.constant 0 : i32
    %dma_start3A_158 = tpu.memref_slice %arg4[%add3A_146, %dma_start3A_156, %dma_start3A_157] : memref<4096x50x128xf32, #tpu.memory_space<hbm>> -> memref<1x50x128xf32, #tpu.memory_space<hbm>>
    %dma_start3A_159 = tpu.memref_squeeze %dma_start3A_158 : memref<1x50x128xf32, #tpu.memory_space<hbm>> -> memref<50x128xf32, #tpu.memory_space<hbm>>
    %dma_start3A_160 = arith.constant 0 : i32
    %dma_start3A_161 = arith.constant 0 : i32
    %dma_start3A_162 = tpu.memref_slice %arg6[%dma_start3A_147, %dma_start3A_160, %dma_start3A_161] : memref<8x50x128xf32, #tpu.memory_space<vmem>> -> memref<1x50x128xf32, #tpu.memory_space<vmem>>
    %dma_start3A_163 = tpu.memref_squeeze %dma_start3A_162 : memref<1x50x128xf32, #tpu.memory_space<vmem>> -> memref<50x128xf32, #tpu.memory_space<vmem>>
    tpu.enqueue_dma source(%dma_start3A_163 : memref<50x128xf32, #tpu.memory_space<vmem>>) target(%dma_start3A_159 : memref<50x128xf32, #tpu.memory_space<hbm>>) target_semaphore(%arg16 : memref<!tpu.dma_semaphore, #tpu.memory_space<semaphore_mem>>)
    %dma_wait3A_164 = arith.constant 0 : i32
    %dma_wait3A_165 = arith.constant 2 : i32
    %dma_wait3A_166 = arith.constant 0 : i32
    %dma_wait3A_167 = arith.constant 0 : i32
    %dma_wait3A_168 = tpu.memref_slice %arg6[%dma_wait3A_165, %dma_wait3A_166, %dma_wait3A_167] : memref<8x50x128xf32, #tpu.memory_space<vmem>> -> memref<1x50x128xf32, #tpu.memory_space<vmem>>
    %dma_wait3A_169 = tpu.memref_squeeze %dma_wait3A_168 : memref<1x50x128xf32, #tpu.memory_space<vmem>> -> memref<50x128xf32, #tpu.memory_space<vmem>>
    %dma_wait3A_170 = arith.constant 0 : i32
    %dma_wait3A_171 = tpu.memref_slice %arg5[%dma_wait3A_164, %dma_wait3A_170] : memref<128x50xi32, #tpu.memory_space<vmem>> -> memref<1x50xi32, #tpu.memory_space<vmem>>
    %dma_wait3A_172 = tpu.memref_squeeze %dma_wait3A_171 : memref<1x50xi32, #tpu.memory_space<vmem>> -> memref<50xi32, #tpu.memory_space<vmem>>
    %dma_wait3A_173 = arith.constant 0 : i32
    %dma_wait3A_174 = arith.constant 0 : i32
    %dma_wait3A_175 = tpu.memref_slice %arg3[%dma_wait3A_173, %dma_wait3A_174] : memref<100000x128xf32, #tpu.memory_space<hbm>> -> memref<100000x128xf32, #tpu.memory_space<hbm>>
    tpu.wait_indirect_dma semaphore(%arg9 : memref<!tpu.dma_semaphore, #tpu.memory_space<semaphore_mem>>) src(%dma_wait3A_175 : memref<100000x128xf32, #tpu.memory_space<hbm>>) dst(%dma_wait3A_169 : memref<50x128xf32, #tpu.memory_space<vmem>>)
    %add3A_176 = arith.constant 122 : i32
    %add3A_177 = arith.addi %mul3A_2, %add3A_176 : i32
    %dma_start3A_178 = arith.constant 2 : i32
    %dma_start3A_179 = arith.constant 0 : i32
    %dma_start3A_180 = arith.constant 0 : i32
    %dma_start3A_181 = tpu.memref_slice %arg6[%dma_start3A_178, %dma_start3A_179, %dma_start3A_180] : memref<8x50x128xf32, #tpu.memory_space<vmem>> -> memref<1x50x128xf32, #tpu.memory_space<vmem>>
    %dma_start3A_182 = tpu.memref_squeeze %dma_start3A_181 : memref<1x50x128xf32, #tpu.memory_space<vmem>> -> memref<50x128xf32, #tpu.memory_space<vmem>>
    %dma_start3A_183 = arith.constant 0 : i32
    %dma_start3A_184 = arith.constant 0 : i32
    %dma_start3A_185 = tpu.memref_slice %arg4[%add3A_177, %dma_start3A_183, %dma_start3A_184] : memref<4096x50x128xf32, #tpu.memory_space<hbm>> -> memref<1x50x128xf32, #tpu.memory_space<hbm>>
    %dma_start3A_186 = tpu.memref_squeeze %dma_start3A_185 : memref<1x50x128xf32, #tpu.memory_space<hbm>> -> memref<50x128xf32, #tpu.memory_space<hbm>>
    %dma_start3A_187 = arith.constant 0 : i32
    %dma_start3A_188 = arith.constant 0 : i32
    %dma_start3A_189 = tpu.memref_slice %arg4[%add3A_177, %dma_start3A_187, %dma_start3A_188] : memref<4096x50x128xf32, #tpu.memory_space<hbm>> -> memref<1x50x128xf32, #tpu.memory_space<hbm>>
    %dma_start3A_190 = tpu.memref_squeeze %dma_start3A_189 : memref<1x50x128xf32, #tpu.memory_space<hbm>> -> memref<50x128xf32, #tpu.memory_space<hbm>>
    %dma_start3A_191 = arith.constant 0 : i32
    %dma_start3A_192 = arith.constant 0 : i32
    %dma_start3A_193 = tpu.memref_slice %arg6[%dma_start3A_178, %dma_start3A_191, %dma_start3A_192] : memref<8x50x128xf32, #tpu.memory_space<vmem>> -> memref<1x50x128xf32, #tpu.memory_space<vmem>>
    %dma_start3A_194 = tpu.memref_squeeze %dma_start3A_193 : memref<1x50x128xf32, #tpu.memory_space<vmem>> -> memref<50x128xf32, #tpu.memory_space<vmem>>
    tpu.enqueue_dma source(%dma_start3A_194 : memref<50x128xf32, #tpu.memory_space<vmem>>) target(%dma_start3A_190 : memref<50x128xf32, #tpu.memory_space<hbm>>) target_semaphore(%arg17 : memref<!tpu.dma_semaphore, #tpu.memory_space<semaphore_mem>>)
    %dma_wait3A_195 = arith.constant 0 : i32
    %dma_wait3A_196 = arith.constant 3 : i32
    %dma_wait3A_197 = arith.constant 0 : i32
    %dma_wait3A_198 = arith.constant 0 : i32
    %dma_wait3A_199 = tpu.memref_slice %arg6[%dma_wait3A_196, %dma_wait3A_197, %dma_wait3A_198] : memref<8x50x128xf32, #tpu.memory_space<vmem>> -> memref<1x50x128xf32, #tpu.memory_space<vmem>>
    %dma_wait3A_200 = tpu.memref_squeeze %dma_wait3A_199 : memref<1x50x128xf32, #tpu.memory_space<vmem>> -> memref<50x128xf32, #tpu.memory_space<vmem>>
    %dma_wait3A_201 = arith.constant 0 : i32
    %dma_wait3A_202 = tpu.memref_slice %arg5[%dma_wait3A_195, %dma_wait3A_201] : memref<128x50xi32, #tpu.memory_space<vmem>> -> memref<1x50xi32, #tpu.memory_space<vmem>>
    %dma_wait3A_203 = tpu.memref_squeeze %dma_wait3A_202 : memref<1x50xi32, #tpu.memory_space<vmem>> -> memref<50xi32, #tpu.memory_space<vmem>>
    %dma_wait3A_204 = arith.constant 0 : i32
    %dma_wait3A_205 = arith.constant 0 : i32
    %dma_wait3A_206 = tpu.memref_slice %arg3[%dma_wait3A_204, %dma_wait3A_205] : memref<100000x128xf32, #tpu.memory_space<hbm>> -> memref<100000x128xf32, #tpu.memory_space<hbm>>
    tpu.wait_indirect_dma semaphore(%arg10 : memref<!tpu.dma_semaphore, #tpu.memory_space<semaphore_mem>>) src(%dma_wait3A_206 : memref<100000x128xf32, #tpu.memory_space<hbm>>) dst(%dma_wait3A_200 : memref<50x128xf32, #tpu.memory_space<vmem>>)
    %add3A_207 = arith.constant 123 : i32
    %add3A_208 = arith.addi %mul3A_2, %add3A_207 : i32
    %dma_start3A_209 = arith.constant 3 : i32
    %dma_start3A_210 = arith.constant 0 : i32
    %dma_start3A_211 = arith.constant 0 : i32
    %dma_start3A_212 = tpu.memref_slice %arg6[%dma_start3A_209, %dma_start3A_210, %dma_start3A_211] : memref<8x50x128xf32, #tpu.memory_space<vmem>> -> memref<1x50x128xf32, #tpu.memory_space<vmem>>
    %dma_start3A_213 = tpu.memref_squeeze %dma_start3A_212 : memref<1x50x128xf32, #tpu.memory_space<vmem>> -> memref<50x128xf32, #tpu.memory_space<vmem>>
    %dma_start3A_214 = arith.constant 0 : i32
    %dma_start3A_215 = arith.constant 0 : i32
    %dma_start3A_216 = tpu.memref_slice %arg4[%add3A_208, %dma_start3A_214, %dma_start3A_215] : memref<4096x50x128xf32, #tpu.memory_space<hbm>> -> memref<1x50x128xf32, #tpu.memory_space<hbm>>
    %dma_start3A_217 = tpu.memref_squeeze %dma_start3A_216 : memref<1x50x128xf32, #tpu.memory_space<hbm>> -> memref<50x128xf32, #tpu.memory_space<hbm>>
    %dma_start3A_218 = arith.constant 0 : i32
    %dma_start3A_219 = arith.constant 0 : i32
    %dma_start3A_220 = tpu.memref_slice %arg4[%add3A_208, %dma_start3A_218, %dma_start3A_219] : memref<4096x50x128xf32, #tpu.memory_space<hbm>> -> memref<1x50x128xf32, #tpu.memory_space<hbm>>
    %dma_start3A_221 = tpu.memref_squeeze %dma_start3A_220 : memref<1x50x128xf32, #tpu.memory_space<hbm>> -> memref<50x128xf32, #tpu.memory_space<hbm>>
    %dma_start3A_222 = arith.constant 0 : i32
    %dma_start3A_223 = arith.constant 0 : i32
    %dma_start3A_224 = tpu.memref_slice %arg6[%dma_start3A_209, %dma_start3A_222, %dma_start3A_223] : memref<8x50x128xf32, #tpu.memory_space<vmem>> -> memref<1x50x128xf32, #tpu.memory_space<vmem>>
    %dma_start3A_225 = tpu.memref_squeeze %dma_start3A_224 : memref<1x50x128xf32, #tpu.memory_space<vmem>> -> memref<50x128xf32, #tpu.memory_space<vmem>>
    tpu.enqueue_dma source(%dma_start3A_225 : memref<50x128xf32, #tpu.memory_space<vmem>>) target(%dma_start3A_221 : memref<50x128xf32, #tpu.memory_space<hbm>>) target_semaphore(%arg18 : memref<!tpu.dma_semaphore, #tpu.memory_space<semaphore_mem>>)
    %dma_wait3A_226 = arith.constant 0 : i32
    %dma_wait3A_227 = arith.constant 4 : i32
    %dma_wait3A_228 = arith.constant 0 : i32
    %dma_wait3A_229 = arith.constant 0 : i32
    %dma_wait3A_230 = tpu.memref_slice %arg6[%dma_wait3A_227, %dma_wait3A_228, %dma_wait3A_229] : memref<8x50x128xf32, #tpu.memory_space<vmem>> -> memref<1x50x128xf32, #tpu.memory_space<vmem>>
    %dma_wait3A_231 = tpu.memref_squeeze %dma_wait3A_230 : memref<1x50x128xf32, #tpu.memory_space<vmem>> -> memref<50x128xf32, #tpu.memory_space<vmem>>
    %dma_wait3A_232 = arith.constant 0 : i32
    %dma_wait3A_233 = tpu.memref_slice %arg5[%dma_wait3A_226, %dma_wait3A_232] : memref<128x50xi32, #tpu.memory_space<vmem>> -> memref<1x50xi32, #tpu.memory_space<vmem>>
    %dma_wait3A_234 = tpu.memref_squeeze %dma_wait3A_233 : memref<1x50xi32, #tpu.memory_space<vmem>> -> memref<50xi32, #tpu.memory_space<vmem>>
    %dma_wait3A_235 = arith.constant 0 : i32
    %dma_wait3A_236 = arith.constant 0 : i32
    %dma_wait3A_237 = tpu.memref_slice %arg3[%dma_wait3A_235, %dma_wait3A_236] : memref<100000x128xf32, #tpu.memory_space<hbm>> -> memref<100000x128xf32, #tpu.memory_space<hbm>>
    tpu.wait_indirect_dma semaphore(%arg11 : memref<!tpu.dma_semaphore, #tpu.memory_space<semaphore_mem>>) src(%dma_wait3A_237 : memref<100000x128xf32, #tpu.memory_space<hbm>>) dst(%dma_wait3A_231 : memref<50x128xf32, #tpu.memory_space<vmem>>)
    %add3A_238 = arith.constant 124 : i32
    %add3A_239 = arith.addi %mul3A_2, %add3A_238 : i32
    %dma_start3A_240 = arith.constant 4 : i32
    %dma_start3A_241 = arith.constant 0 : i32
    %dma_start3A_242 = arith.constant 0 : i32
    %dma_start3A_243 = tpu.memref_slice %arg6[%dma_start3A_240, %dma_start3A_241, %dma_start3A_242] : memref<8x50x128xf32, #tpu.memory_space<vmem>> -> memref<1x50x128xf32, #tpu.memory_space<vmem>>
    %dma_start3A_244 = tpu.memref_squeeze %dma_start3A_243 : memref<1x50x128xf32, #tpu.memory_space<vmem>> -> memref<50x128xf32, #tpu.memory_space<vmem>>
    %dma_start3A_245 = arith.constant 0 : i32
    %dma_start3A_246 = arith.constant 0 : i32
    %dma_start3A_247 = tpu.memref_slice %arg4[%add3A_239, %dma_start3A_245, %dma_start3A_246] : memref<4096x50x128xf32, #tpu.memory_space<hbm>> -> memref<1x50x128xf32, #tpu.memory_space<hbm>>
    %dma_start3A_248 = tpu.memref_squeeze %dma_start3A_247 : memref<1x50x128xf32, #tpu.memory_space<hbm>> -> memref<50x128xf32, #tpu.memory_space<hbm>>
    %dma_start3A_249 = arith.constant 0 : i32
    %dma_start3A_250 = arith.constant 0 : i32
    %dma_start3A_251 = tpu.memref_slice %arg4[%add3A_239, %dma_start3A_249, %dma_start3A_250] : memref<4096x50x128xf32, #tpu.memory_space<hbm>> -> memref<1x50x128xf32, #tpu.memory_space<hbm>>
    %dma_start3A_252 = tpu.memref_squeeze %dma_start3A_251 : memref<1x50x128xf32, #tpu.memory_space<hbm>> -> memref<50x128xf32, #tpu.memory_space<hbm>>
    %dma_start3A_253 = arith.constant 0 : i32
    %dma_start3A_254 = arith.constant 0 : i32
    %dma_start3A_255 = tpu.memref_slice %arg6[%dma_start3A_240, %dma_start3A_253, %dma_start3A_254] : memref<8x50x128xf32, #tpu.memory_space<vmem>> -> memref<1x50x128xf32, #tpu.memory_space<vmem>>
    %dma_start3A_256 = tpu.memref_squeeze %dma_start3A_255 : memref<1x50x128xf32, #tpu.memory_space<vmem>> -> memref<50x128xf32, #tpu.memory_space<vmem>>
    tpu.enqueue_dma source(%dma_start3A_256 : memref<50x128xf32, #tpu.memory_space<vmem>>) target(%dma_start3A_252 : memref<50x128xf32, #tpu.memory_space<hbm>>) target_semaphore(%arg19 : memref<!tpu.dma_semaphore, #tpu.memory_space<semaphore_mem>>)
    %dma_wait3A_257 = arith.constant 0 : i32
    %dma_wait3A_258 = arith.constant 5 : i32
    %dma_wait3A_259 = arith.constant 0 : i32
    %dma_wait3A_260 = arith.constant 0 : i32
    %dma_wait3A_261 = tpu.memref_slice %arg6[%dma_wait3A_258, %dma_wait3A_259, %dma_wait3A_260] : memref<8x50x128xf32, #tpu.memory_space<vmem>> -> memref<1x50x128xf32, #tpu.memory_space<vmem>>
    %dma_wait3A_262 = tpu.memref_squeeze %dma_wait3A_261 : memref<1x50x128xf32, #tpu.memory_space<vmem>> -> memref<50x128xf32, #tpu.memory_space<vmem>>
    %dma_wait3A_263 = arith.constant 0 : i32
    %dma_wait3A_264 = tpu.memref_slice %arg5[%dma_wait3A_257, %dma_wait3A_263] : memref<128x50xi32, #tpu.memory_space<vmem>> -> memref<1x50xi32, #tpu.memory_space<vmem>>
    %dma_wait3A_265 = tpu.memref_squeeze %dma_wait3A_264 : memref<1x50xi32, #tpu.memory_space<vmem>> -> memref<50xi32, #tpu.memory_space<vmem>>
    %dma_wait3A_266 = arith.constant 0 : i32
    %dma_wait3A_267 = arith.constant 0 : i32
    %dma_wait3A_268 = tpu.memref_slice %arg3[%dma_wait3A_266, %dma_wait3A_267] : memref<100000x128xf32, #tpu.memory_space<hbm>> -> memref<100000x128xf32, #tpu.memory_space<hbm>>
    tpu.wait_indirect_dma semaphore(%arg12 : memref<!tpu.dma_semaphore, #tpu.memory_space<semaphore_mem>>) src(%dma_wait3A_268 : memref<100000x128xf32, #tpu.memory_space<hbm>>) dst(%dma_wait3A_262 : memref<50x128xf32, #tpu.memory_space<vmem>>)
    %add3A_269 = arith.constant 125 : i32
    %add3A_270 = arith.addi %mul3A_2, %add3A_269 : i32
    %dma_start3A_271 = arith.constant 5 : i32
    %dma_start3A_272 = arith.constant 0 : i32
    %dma_start3A_273 = arith.constant 0 : i32
    %dma_start3A_274 = tpu.memref_slice %arg6[%dma_start3A_271, %dma_start3A_272, %dma_start3A_273] : memref<8x50x128xf32, #tpu.memory_space<vmem>> -> memref<1x50x128xf32, #tpu.memory_space<vmem>>
    %dma_start3A_275 = tpu.memref_squeeze %dma_start3A_274 : memref<1x50x128xf32, #tpu.memory_space<vmem>> -> memref<50x128xf32, #tpu.memory_space<vmem>>
    %dma_start3A_276 = arith.constant 0 : i32
    %dma_start3A_277 = arith.constant 0 : i32
    %dma_start3A_278 = tpu.memref_slice %arg4[%add3A_270, %dma_start3A_276, %dma_start3A_277] : memref<4096x50x128xf32, #tpu.memory_space<hbm>> -> memref<1x50x128xf32, #tpu.memory_space<hbm>>
    %dma_start3A_279 = tpu.memref_squeeze %dma_start3A_278 : memref<1x50x128xf32, #tpu.memory_space<hbm>> -> memref<50x128xf32, #tpu.memory_space<hbm>>
    %dma_start3A_280 = arith.constant 0 : i32
    %dma_start3A_281 = arith.constant 0 : i32
    %dma_start3A_282 = tpu.memref_slice %arg4[%add3A_270, %dma_start3A_280, %dma_start3A_281] : memref<4096x50x128xf32, #tpu.memory_space<hbm>> -> memref<1x50x128xf32, #tpu.memory_space<hbm>>
    %dma_start3A_283 = tpu.memref_squeeze %dma_start3A_282 : memref<1x50x128xf32, #tpu.memory_space<hbm>> -> memref<50x128xf32, #tpu.memory_space<hbm>>
    %dma_start3A_284 = arith.constant 0 : i32
    %dma_start3A_285 = arith.constant 0 : i32
    %dma_start3A_286 = tpu.memref_slice %arg6[%dma_start3A_271, %dma_start3A_284, %dma_start3A_285] : memref<8x50x128xf32, #tpu.memory_space<vmem>> -> memref<1x50x128xf32, #tpu.memory_space<vmem>>
    %dma_start3A_287 = tpu.memref_squeeze %dma_start3A_286 : memref<1x50x128xf32, #tpu.memory_space<vmem>> -> memref<50x128xf32, #tpu.memory_space<vmem>>
    tpu.enqueue_dma source(%dma_start3A_287 : memref<50x128xf32, #tpu.memory_space<vmem>>) target(%dma_start3A_283 : memref<50x128xf32, #tpu.memory_space<hbm>>) target_semaphore(%arg20 : memref<!tpu.dma_semaphore, #tpu.memory_space<semaphore_mem>>)
    %dma_wait3A_288 = arith.constant 0 : i32
    %dma_wait3A_289 = arith.constant 6 : i32
    %dma_wait3A_290 = arith.constant 0 : i32
    %dma_wait3A_291 = arith.constant 0 : i32
    %dma_wait3A_292 = tpu.memref_slice %arg6[%dma_wait3A_289, %dma_wait3A_290, %dma_wait3A_291] : memref<8x50x128xf32, #tpu.memory_space<vmem>> -> memref<1x50x128xf32, #tpu.memory_space<vmem>>
    %dma_wait3A_293 = tpu.memref_squeeze %dma_wait3A_292 : memref<1x50x128xf32, #tpu.memory_space<vmem>> -> memref<50x128xf32, #tpu.memory_space<vmem>>
    %dma_wait3A_294 = arith.constant 0 : i32
    %dma_wait3A_295 = tpu.memref_slice %arg5[%dma_wait3A_288, %dma_wait3A_294] : memref<128x50xi32, #tpu.memory_space<vmem>> -> memref<1x50xi32, #tpu.memory_space<vmem>>
    %dma_wait3A_296 = tpu.memref_squeeze %dma_wait3A_295 : memref<1x50xi32, #tpu.memory_space<vmem>> -> memref<50xi32, #tpu.memory_space<vmem>>
    %dma_wait3A_297 = arith.constant 0 : i32
    %dma_wait3A_298 = arith.constant 0 : i32
    %dma_wait3A_299 = tpu.memref_slice %arg3[%dma_wait3A_297, %dma_wait3A_298] : memref<100000x128xf32, #tpu.memory_space<hbm>> -> memref<100000x128xf32, #tpu.memory_space<hbm>>
    tpu.wait_indirect_dma semaphore(%arg13 : memref<!tpu.dma_semaphore, #tpu.memory_space<semaphore_mem>>) src(%dma_wait3A_299 : memref<100000x128xf32, #tpu.memory_space<hbm>>) dst(%dma_wait3A_293 : memref<50x128xf32, #tpu.memory_space<vmem>>)
    %add3A_300 = arith.constant 126 : i32
    %add3A_301 = arith.addi %mul3A_2, %add3A_300 : i32
    %dma_start3A_302 = arith.constant 6 : i32
    %dma_start3A_303 = arith.constant 0 : i32
    %dma_start3A_304 = arith.constant 0 : i32
    %dma_start3A_305 = tpu.memref_slice %arg6[%dma_start3A_302, %dma_start3A_303, %dma_start3A_304] : memref<8x50x128xf32, #tpu.memory_space<vmem>> -> memref<1x50x128xf32, #tpu.memory_space<vmem>>
    %dma_start3A_306 = tpu.memref_squeeze %dma_start3A_305 : memref<1x50x128xf32, #tpu.memory_space<vmem>> -> memref<50x128xf32, #tpu.memory_space<vmem>>
    %dma_start3A_307 = arith.constant 0 : i32
    %dma_start3A_308 = arith.constant 0 : i32
    %dma_start3A_309 = tpu.memref_slice %arg4[%add3A_301, %dma_start3A_307, %dma_start3A_308] : memref<4096x50x128xf32, #tpu.memory_space<hbm>> -> memref<1x50x128xf32, #tpu.memory_space<hbm>>
    %dma_start3A_310 = tpu.memref_squeeze %dma_start3A_309 : memref<1x50x128xf32, #tpu.memory_space<hbm>> -> memref<50x128xf32, #tpu.memory_space<hbm>>
    %dma_start3A_311 = arith.constant 0 : i32
    %dma_start3A_312 = arith.constant 0 : i32
    %dma_start3A_313 = tpu.memref_slice %arg4[%add3A_301, %dma_start3A_311, %dma_start3A_312] : memref<4096x50x128xf32, #tpu.memory_space<hbm>> -> memref<1x50x128xf32, #tpu.memory_space<hbm>>
    %dma_start3A_314 = tpu.memref_squeeze %dma_start3A_313 : memref<1x50x128xf32, #tpu.memory_space<hbm>> -> memref<50x128xf32, #tpu.memory_space<hbm>>
    %dma_start3A_315 = arith.constant 0 : i32
    %dma_start3A_316 = arith.constant 0 : i32
    %dma_start3A_317 = tpu.memref_slice %arg6[%dma_start3A_302, %dma_start3A_315, %dma_start3A_316] : memref<8x50x128xf32, #tpu.memory_space<vmem>> -> memref<1x50x128xf32, #tpu.memory_space<vmem>>
    %dma_start3A_318 = tpu.memref_squeeze %dma_start3A_317 : memref<1x50x128xf32, #tpu.memory_space<vmem>> -> memref<50x128xf32, #tpu.memory_space<vmem>>
    tpu.enqueue_dma source(%dma_start3A_318 : memref<50x128xf32, #tpu.memory_space<vmem>>) target(%dma_start3A_314 : memref<50x128xf32, #tpu.memory_space<hbm>>) target_semaphore(%arg21 : memref<!tpu.dma_semaphore, #tpu.memory_space<semaphore_mem>>)
    %dma_wait3A_319 = arith.constant 0 : i32
    %dma_wait3A_320 = arith.constant 7 : i32
    %dma_wait3A_321 = arith.constant 0 : i32
    %dma_wait3A_322 = arith.constant 0 : i32
    %dma_wait3A_323 = tpu.memref_slice %arg6[%dma_wait3A_320, %dma_wait3A_321, %dma_wait3A_322] : memref<8x50x128xf32, #tpu.memory_space<vmem>> -> memref<1x50x128xf32, #tpu.memory_space<vmem>>
    %dma_wait3A_324 = tpu.memref_squeeze %dma_wait3A_323 : memref<1x50x128xf32, #tpu.memory_space<vmem>> -> memref<50x128xf32, #tpu.memory_space<vmem>>
    %dma_wait3A_325 = arith.constant 0 : i32
    %dma_wait3A_326 = tpu.memref_slice %arg5[%dma_wait3A_319, %dma_wait3A_325] : memref<128x50xi32, #tpu.memory_space<vmem>> -> memref<1x50xi32, #tpu.memory_space<vmem>>
    %dma_wait3A_327 = tpu.memref_squeeze %dma_wait3A_326 : memref<1x50xi32, #tpu.memory_space<vmem>> -> memref<50xi32, #tpu.memory_space<vmem>>
    %dma_wait3A_328 = arith.constant 0 : i32
    %dma_wait3A_329 = arith.constant 0 : i32
    %dma_wait3A_330 = tpu.memref_slice %arg3[%dma_wait3A_328, %dma_wait3A_329] : memref<100000x128xf32, #tpu.memory_space<hbm>> -> memref<100000x128xf32, #tpu.memory_space<hbm>>
    tpu.wait_indirect_dma semaphore(%arg14 : memref<!tpu.dma_semaphore, #tpu.memory_space<semaphore_mem>>) src(%dma_wait3A_330 : memref<100000x128xf32, #tpu.memory_space<hbm>>) dst(%dma_wait3A_324 : memref<50x128xf32, #tpu.memory_space<vmem>>)
    %add3A_331 = arith.constant 127 : i32
    %add3A_332 = arith.addi %mul3A_2, %add3A_331 : i32
    %dma_start3A_333 = arith.constant 7 : i32
    %dma_start3A_334 = arith.constant 0 : i32
    %dma_start3A_335 = arith.constant 0 : i32
    %dma_start3A_336 = tpu.memref_slice %arg6[%dma_start3A_333, %dma_start3A_334, %dma_start3A_335] : memref<8x50x128xf32, #tpu.memory_space<vmem>> -> memref<1x50x128xf32, #tpu.memory_space<vmem>>
    %dma_start3A_337 = tpu.memref_squeeze %dma_start3A_336 : memref<1x50x128xf32, #tpu.memory_space<vmem>> -> memref<50x128xf32, #tpu.memory_space<vmem>>
    %dma_start3A_338 = arith.constant 0 : i32
    %dma_start3A_339 = arith.constant 0 : i32
    %dma_start3A_340 = tpu.memref_slice %arg4[%add3A_332, %dma_start3A_338, %dma_start3A_339] : memref<4096x50x128xf32, #tpu.memory_space<hbm>> -> memref<1x50x128xf32, #tpu.memory_space<hbm>>
    %dma_start3A_341 = tpu.memref_squeeze %dma_start3A_340 : memref<1x50x128xf32, #tpu.memory_space<hbm>> -> memref<50x128xf32, #tpu.memory_space<hbm>>
    %dma_start3A_342 = arith.constant 0 : i32
    %dma_start3A_343 = arith.constant 0 : i32
    %dma_start3A_344 = tpu.memref_slice %arg4[%add3A_332, %dma_start3A_342, %dma_start3A_343] : memref<4096x50x128xf32, #tpu.memory_space<hbm>> -> memref<1x50x128xf32, #tpu.memory_space<hbm>>
    %dma_start3A_345 = tpu.memref_squeeze %dma_start3A_344 : memref<1x50x128xf32, #tpu.memory_space<hbm>> -> memref<50x128xf32, #tpu.memory_space<hbm>>
    %dma_start3A_346 = arith.constant 0 : i32
    %dma_start3A_347 = arith.constant 0 : i32
    %dma_start3A_348 = tpu.memref_slice %arg6[%dma_start3A_333, %dma_start3A_346, %dma_start3A_347] : memref<8x50x128xf32, #tpu.memory_space<vmem>> -> memref<1x50x128xf32, #tpu.memory_space<vmem>>
    %dma_start3A_349 = tpu.memref_squeeze %dma_start3A_348 : memref<1x50x128xf32, #tpu.memory_space<vmem>> -> memref<50x128xf32, #tpu.memory_space<vmem>>
    tpu.enqueue_dma source(%dma_start3A_349 : memref<50x128xf32, #tpu.memory_space<vmem>>) target(%dma_start3A_345 : memref<50x128xf32, #tpu.memory_space<hbm>>) target_semaphore(%arg22 : memref<!tpu.dma_semaphore, #tpu.memory_space<semaphore_mem>>)
    %dma_wait3A_350 = arith.constant 0 : i32
    %dma_wait3A_351 = arith.constant 0 : i32
    %dma_wait3A_352 = arith.constant 0 : i32
    %dma_wait3A_353 = arith.constant 0 : i32
    %dma_wait3A_354 = tpu.memref_slice %arg6[%dma_wait3A_350, %dma_wait3A_352, %dma_wait3A_353] : memref<8x50x128xf32, #tpu.memory_space<vmem>> -> memref<1x50x128xf32, #tpu.memory_space<vmem>>
    %dma_wait3A_355 = tpu.memref_squeeze %dma_wait3A_354 : memref<1x50x128xf32, #tpu.memory_space<vmem>> -> memref<50x128xf32, #tpu.memory_space<vmem>>
    %dma_wait3A_356 = arith.constant 0 : i32
    %dma_wait3A_357 = arith.constant 0 : i32
    %dma_wait3A_358 = tpu.memref_slice %arg4[%dma_wait3A_351, %dma_wait3A_356, %dma_wait3A_357] : memref<4096x50x128xf32, #tpu.memory_space<hbm>> -> memref<1x50x128xf32, #tpu.memory_space<hbm>>
    %dma_wait3A_359 = tpu.memref_squeeze %dma_wait3A_358 : memref<1x50x128xf32, #tpu.memory_space<hbm>> -> memref<50x128xf32, #tpu.memory_space<hbm>>
    %dma_wait3A_360 = arith.constant 0 : i32
    %dma_wait3A_361 = arith.constant 0 : i32
    %dma_wait3A_362 = tpu.memref_slice %arg4[%dma_wait3A_351, %dma_wait3A_360, %dma_wait3A_361] : memref<4096x50x128xf32, #tpu.memory_space<hbm>> -> memref<1x50x128xf32, #tpu.memory_space<hbm>>
    %dma_wait3A_363 = tpu.memref_squeeze %dma_wait3A_362 : memref<1x50x128xf32, #tpu.memory_space<hbm>> -> memref<50x128xf32, #tpu.memory_space<hbm>>
    %dma_wait3A_364 = arith.constant 0 : i32
    %dma_wait3A_365 = arith.constant 0 : i32
    %dma_wait3A_366 = tpu.memref_slice %arg6[%dma_wait3A_350, %dma_wait3A_364, %dma_wait3A_365] : memref<8x50x128xf32, #tpu.memory_space<vmem>> -> memref<1x50x128xf32, #tpu.memory_space<vmem>>
    %dma_wait3A_367 = tpu.memref_squeeze %dma_wait3A_366 : memref<1x50x128xf32, #tpu.memory_space<vmem>> -> memref<50x128xf32, #tpu.memory_space<vmem>>
    tpu.wait_dma2 semaphore(%arg15 : memref<!tpu.dma_semaphore, #tpu.memory_space<semaphore_mem>>) src(%dma_wait3A_367 : memref<50x128xf32, #tpu.memory_space<vmem>>) dst(%dma_wait3A_363 : memref<50x128xf32, #tpu.memory_space<hbm>>)
    %dma_wait3A_368 = arith.constant 1 : i32
    %dma_wait3A_369 = arith.constant 0 : i32
    %dma_wait3A_370 = arith.constant 0 : i32
    %dma_wait3A_371 = arith.constant 0 : i32
    %dma_wait3A_372 = tpu.memref_slice %arg6[%dma_wait3A_368, %dma_wait3A_370, %dma_wait3A_371] : memref<8x50x128xf32, #tpu.memory_space<vmem>> -> memref<1x50x128xf32, #tpu.memory_space<vmem>>
    %dma_wait3A_373 = tpu.memref_squeeze %dma_wait3A_372 : memref<1x50x128xf32, #tpu.memory_space<vmem>> -> memref<50x128xf32, #tpu.memory_space<vmem>>
    %dma_wait3A_374 = arith.constant 0 : i32
    %dma_wait3A_375 = arith.constant 0 : i32
    %dma_wait3A_376 = tpu.memref_slice %arg4[%dma_wait3A_369, %dma_wait3A_374, %dma_wait3A_375] : memref<4096x50x128xf32, #tpu.memory_space<hbm>> -> memref<1x50x128xf32, #tpu.memory_space<hbm>>
    %dma_wait3A_377 = tpu.memref_squeeze %dma_wait3A_376 : memref<1x50x128xf32, #tpu.memory_space<hbm>> -> memref<50x128xf32, #tpu.memory_space<hbm>>
    %dma_wait3A_378 = arith.constant 0 : i32
    %dma_wait3A_379 = arith.constant 0 : i32
    %dma_wait3A_380 = tpu.memref_slice %arg4[%dma_wait3A_369, %dma_wait3A_378, %dma_wait3A_379] : memref<4096x50x128xf32, #tpu.memory_space<hbm>> -> memref<1x50x128xf32, #tpu.memory_space<hbm>>
    %dma_wait3A_381 = tpu.memref_squeeze %dma_wait3A_380 : memref<1x50x128xf32, #tpu.memory_space<hbm>> -> memref<50x128xf32, #tpu.memory_space<hbm>>
    %dma_wait3A_382 = arith.constant 0 : i32
    %dma_wait3A_383 = arith.constant 0 : i32
    %dma_wait3A_384 = tpu.memref_slice %arg6[%dma_wait3A_368, %dma_wait3A_382, %dma_wait3A_383] : memref<8x50x128xf32, #tpu.memory_space<vmem>> -> memref<1x50x128xf32, #tpu.memory_space<vmem>>
    %dma_wait3A_385 = tpu.memref_squeeze %dma_wait3A_384 : memref<1x50x128xf32, #tpu.memory_space<vmem>> -> memref<50x128xf32, #tpu.memory_space<vmem>>
    tpu.wait_dma2 semaphore(%arg16 : memref<!tpu.dma_semaphore, #tpu.memory_space<semaphore_mem>>) src(%dma_wait3A_385 : memref<50x128xf32, #tpu.memory_space<vmem>>) dst(%dma_wait3A_381 : memref<50x128xf32, #tpu.memory_space<hbm>>)
    %dma_wait3A_386 = arith.constant 2 : i32
    %dma_wait3A_387 = arith.constant 0 : i32
    %dma_wait3A_388 = arith.constant 0 : i32
    %dma_wait3A_389 = arith.constant 0 : i32
    %dma_wait3A_390 = tpu.memref_slice %arg6[%dma_wait3A_386, %dma_wait3A_388, %dma_wait3A_389] : memref<8x50x128xf32, #tpu.memory_space<vmem>> -> memref<1x50x128xf32, #tpu.memory_space<vmem>>
    %dma_wait3A_391 = tpu.memref_squeeze %dma_wait3A_390 : memref<1x50x128xf32, #tpu.memory_space<vmem>> -> memref<50x128xf32, #tpu.memory_space<vmem>>
    %dma_wait3A_392 = arith.constant 0 : i32
    %dma_wait3A_393 = arith.constant 0 : i32
    %dma_wait3A_394 = tpu.memref_slice %arg4[%dma_wait3A_387, %dma_wait3A_392, %dma_wait3A_393] : memref<4096x50x128xf32, #tpu.memory_space<hbm>> -> memref<1x50x128xf32, #tpu.memory_space<hbm>>
    %dma_wait3A_395 = tpu.memref_squeeze %dma_wait3A_394 : memref<1x50x128xf32, #tpu.memory_space<hbm>> -> memref<50x128xf32, #tpu.memory_space<hbm>>
    %dma_wait3A_396 = arith.constant 0 : i32
    %dma_wait3A_397 = arith.constant 0 : i32
    %dma_wait3A_398 = tpu.memref_slice %arg4[%dma_wait3A_387, %dma_wait3A_396, %dma_wait3A_397] : memref<4096x50x128xf32, #tpu.memory_space<hbm>> -> memref<1x50x128xf32, #tpu.memory_space<hbm>>
    %dma_wait3A_399 = tpu.memref_squeeze %dma_wait3A_398 : memref<1x50x128xf32, #tpu.memory_space<hbm>> -> memref<50x128xf32, #tpu.memory_space<hbm>>
    %dma_wait3A_400 = arith.constant 0 : i32
    %dma_wait3A_401 = arith.constant 0 : i32
    %dma_wait3A_402 = tpu.memref_slice %arg6[%dma_wait3A_386, %dma_wait3A_400, %dma_wait3A_401] : memref<8x50x128xf32, #tpu.memory_space<vmem>> -> memref<1x50x128xf32, #tpu.memory_space<vmem>>
    %dma_wait3A_403 = tpu.memref_squeeze %dma_wait3A_402 : memref<1x50x128xf32, #tpu.memory_space<vmem>> -> memref<50x128xf32, #tpu.memory_space<vmem>>
    tpu.wait_dma2 semaphore(%arg17 : memref<!tpu.dma_semaphore, #tpu.memory_space<semaphore_mem>>) src(%dma_wait3A_403 : memref<50x128xf32, #tpu.memory_space<vmem>>) dst(%dma_wait3A_399 : memref<50x128xf32, #tpu.memory_space<hbm>>)
    %dma_wait3A_404 = arith.constant 3 : i32
    %dma_wait3A_405 = arith.constant 0 : i32
    %dma_wait3A_406 = arith.constant 0 : i32
    %dma_wait3A_407 = arith.constant 0 : i32
    %dma_wait3A_408 = tpu.memref_slice %arg6[%dma_wait3A_404, %dma_wait3A_406, %dma_wait3A_407] : memref<8x50x128xf32, #tpu.memory_space<vmem>> -> memref<1x50x128xf32, #tpu.memory_space<vmem>>
    %dma_wait3A_409 = tpu.memref_squeeze %dma_wait3A_408 : memref<1x50x128xf32, #tpu.memory_space<vmem>> -> memref<50x128xf32, #tpu.memory_space<vmem>>
    %dma_wait3A_410 = arith.constant 0 : i32
    %dma_wait3A_411 = arith.constant 0 : i32
    %dma_wait3A_412 = tpu.memref_slice %arg4[%dma_wait3A_405, %dma_wait3A_410, %dma_wait3A_411] : memref<4096x50x128xf32, #tpu.memory_space<hbm>> -> memref<1x50x128xf32, #tpu.memory_space<hbm>>
    %dma_wait3A_413 = tpu.memref_squeeze %dma_wait3A_412 : memref<1x50x128xf32, #tpu.memory_space<hbm>> -> memref<50x128xf32, #tpu.memory_space<hbm>>
    %dma_wait3A_414 = arith.constant 0 : i32
    %dma_wait3A_415 = arith.constant 0 : i32
    %dma_wait3A_416 = tpu.memref_slice %arg4[%dma_wait3A_405, %dma_wait3A_414, %dma_wait3A_415] : memref<4096x50x128xf32, #tpu.memory_space<hbm>> -> memref<1x50x128xf32, #tpu.memory_space<hbm>>
    %dma_wait3A_417 = tpu.memref_squeeze %dma_wait3A_416 : memref<1x50x128xf32, #tpu.memory_space<hbm>> -> memref<50x128xf32, #tpu.memory_space<hbm>>
    %dma_wait3A_418 = arith.constant 0 : i32
    %dma_wait3A_419 = arith.constant 0 : i32
    %dma_wait3A_420 = tpu.memref_slice %arg6[%dma_wait3A_404, %dma_wait3A_418, %dma_wait3A_419] : memref<8x50x128xf32, #tpu.memory_space<vmem>> -> memref<1x50x128xf32, #tpu.memory_space<vmem>>
    %dma_wait3A_421 = tpu.memref_squeeze %dma_wait3A_420 : memref<1x50x128xf32, #tpu.memory_space<vmem>> -> memref<50x128xf32, #tpu.memory_space<vmem>>
    tpu.wait_dma2 semaphore(%arg18 : memref<!tpu.dma_semaphore, #tpu.memory_space<semaphore_mem>>) src(%dma_wait3A_421 : memref<50x128xf32, #tpu.memory_space<vmem>>) dst(%dma_wait3A_417 : memref<50x128xf32, #tpu.memory_space<hbm>>)
    %dma_wait3A_422 = arith.constant 4 : i32
    %dma_wait3A_423 = arith.constant 0 : i32
    %dma_wait3A_424 = arith.constant 0 : i32
    %dma_wait3A_425 = arith.constant 0 : i32
    %dma_wait3A_426 = tpu.memref_slice %arg6[%dma_wait3A_422, %dma_wait3A_424, %dma_wait3A_425] : memref<8x50x128xf32, #tpu.memory_space<vmem>> -> memref<1x50x128xf32, #tpu.memory_space<vmem>>
    %dma_wait3A_427 = tpu.memref_squeeze %dma_wait3A_426 : memref<1x50x128xf32, #tpu.memory_space<vmem>> -> memref<50x128xf32, #tpu.memory_space<vmem>>
    %dma_wait3A_428 = arith.constant 0 : i32
    %dma_wait3A_429 = arith.constant 0 : i32
    %dma_wait3A_430 = tpu.memref_slice %arg4[%dma_wait3A_423, %dma_wait3A_428, %dma_wait3A_429] : memref<4096x50x128xf32, #tpu.memory_space<hbm>> -> memref<1x50x128xf32, #tpu.memory_space<hbm>>
    %dma_wait3A_431 = tpu.memref_squeeze %dma_wait3A_430 : memref<1x50x128xf32, #tpu.memory_space<hbm>> -> memref<50x128xf32, #tpu.memory_space<hbm>>
    %dma_wait3A_432 = arith.constant 0 : i32
    %dma_wait3A_433 = arith.constant 0 : i32
    %dma_wait3A_434 = tpu.memref_slice %arg4[%dma_wait3A_423, %dma_wait3A_432, %dma_wait3A_433] : memref<4096x50x128xf32, #tpu.memory_space<hbm>> -> memref<1x50x128xf32, #tpu.memory_space<hbm>>
    %dma_wait3A_435 = tpu.memref_squeeze %dma_wait3A_434 : memref<1x50x128xf32, #tpu.memory_space<hbm>> -> memref<50x128xf32, #tpu.memory_space<hbm>>
    %dma_wait3A_436 = arith.constant 0 : i32
    %dma_wait3A_437 = arith.constant 0 : i32
    %dma_wait3A_438 = tpu.memref_slice %arg6[%dma_wait3A_422, %dma_wait3A_436, %dma_wait3A_437] : memref<8x50x128xf32, #tpu.memory_space<vmem>> -> memref<1x50x128xf32, #tpu.memory_space<vmem>>
    %dma_wait3A_439 = tpu.memref_squeeze %dma_wait3A_438 : memref<1x50x128xf32, #tpu.memory_space<vmem>> -> memref<50x128xf32, #tpu.memory_space<vmem>>
    tpu.wait_dma2 semaphore(%arg19 : memref<!tpu.dma_semaphore, #tpu.memory_space<semaphore_mem>>) src(%dma_wait3A_439 : memref<50x128xf32, #tpu.memory_space<vmem>>) dst(%dma_wait3A_435 : memref<50x128xf32, #tpu.memory_space<hbm>>)
    %dma_wait3A_440 = arith.constant 5 : i32
    %dma_wait3A_441 = arith.constant 0 : i32
    %dma_wait3A_442 = arith.constant 0 : i32
    %dma_wait3A_443 = arith.constant 0 : i32
    %dma_wait3A_444 = tpu.memref_slice %arg6[%dma_wait3A_440, %dma_wait3A_442, %dma_wait3A_443] : memref<8x50x128xf32, #tpu.memory_space<vmem>> -> memref<1x50x128xf32, #tpu.memory_space<vmem>>
    %dma_wait3A_445 = tpu.memref_squeeze %dma_wait3A_444 : memref<1x50x128xf32, #tpu.memory_space<vmem>> -> memref<50x128xf32, #tpu.memory_space<vmem>>
    %dma_wait3A_446 = arith.constant 0 : i32
    %dma_wait3A_447 = arith.constant 0 : i32
    %dma_wait3A_448 = tpu.memref_slice %arg4[%dma_wait3A_441, %dma_wait3A_446, %dma_wait3A_447] : memref<4096x50x128xf32, #tpu.memory_space<hbm>> -> memref<1x50x128xf32, #tpu.memory_space<hbm>>
    %dma_wait3A_449 = tpu.memref_squeeze %dma_wait3A_448 : memref<1x50x128xf32, #tpu.memory_space<hbm>> -> memref<50x128xf32, #tpu.memory_space<hbm>>
    %dma_wait3A_450 = arith.constant 0 : i32
    %dma_wait3A_451 = arith.constant 0 : i32
    %dma_wait3A_452 = tpu.memref_slice %arg4[%dma_wait3A_441, %dma_wait3A_450, %dma_wait3A_451] : memref<4096x50x128xf32, #tpu.memory_space<hbm>> -> memref<1x50x128xf32, #tpu.memory_space<hbm>>
    %dma_wait3A_453 = tpu.memref_squeeze %dma_wait3A_452 : memref<1x50x128xf32, #tpu.memory_space<hbm>> -> memref<50x128xf32, #tpu.memory_space<hbm>>
    %dma_wait3A_454 = arith.constant 0 : i32
    %dma_wait3A_455 = arith.constant 0 : i32
    %dma_wait3A_456 = tpu.memref_slice %arg6[%dma_wait3A_440, %dma_wait3A_454, %dma_wait3A_455] : memref<8x50x128xf32, #tpu.memory_space<vmem>> -> memref<1x50x128xf32, #tpu.memory_space<vmem>>
    %dma_wait3A_457 = tpu.memref_squeeze %dma_wait3A_456 : memref<1x50x128xf32, #tpu.memory_space<vmem>> -> memref<50x128xf32, #tpu.memory_space<vmem>>
    tpu.wait_dma2 semaphore(%arg20 : memref<!tpu.dma_semaphore, #tpu.memory_space<semaphore_mem>>) src(%dma_wait3A_457 : memref<50x128xf32, #tpu.memory_space<vmem>>) dst(%dma_wait3A_453 : memref<50x128xf32, #tpu.memory_space<hbm>>)
    %dma_wait3A_458 = arith.constant 6 : i32
    %dma_wait3A_459 = arith.constant 0 : i32
    %dma_wait3A_460 = arith.constant 0 : i32
    %dma_wait3A_461 = arith.constant 0 : i32
    %dma_wait3A_462 = tpu.memref_slice %arg6[%dma_wait3A_458, %dma_wait3A_460, %dma_wait3A_461] : memref<8x50x128xf32, #tpu.memory_space<vmem>> -> memref<1x50x128xf32, #tpu.memory_space<vmem>>
    %dma_wait3A_463 = tpu.memref_squeeze %dma_wait3A_462 : memref<1x50x128xf32, #tpu.memory_space<vmem>> -> memref<50x128xf32, #tpu.memory_space<vmem>>
    %dma_wait3A_464 = arith.constant 0 : i32
    %dma_wait3A_465 = arith.constant 0 : i32
    %dma_wait3A_466 = tpu.memref_slice %arg4[%dma_wait3A_459, %dma_wait3A_464, %dma_wait3A_465] : memref<4096x50x128xf32, #tpu.memory_space<hbm>> -> memref<1x50x128xf32, #tpu.memory_space<hbm>>
    %dma_wait3A_467 = tpu.memref_squeeze %dma_wait3A_466 : memref<1x50x128xf32, #tpu.memory_space<hbm>> -> memref<50x128xf32, #tpu.memory_space<hbm>>
    %dma_wait3A_468 = arith.constant 0 : i32
    %dma_wait3A_469 = arith.constant 0 : i32
    %dma_wait3A_470 = tpu.memref_slice %arg4[%dma_wait3A_459, %dma_wait3A_468, %dma_wait3A_469] : memref<4096x50x128xf32, #tpu.memory_space<hbm>> -> memref<1x50x128xf32, #tpu.memory_space<hbm>>
    %dma_wait3A_471 = tpu.memref_squeeze %dma_wait3A_470 : memref<1x50x128xf32, #tpu.memory_space<hbm>> -> memref<50x128xf32, #tpu.memory_space<hbm>>
    %dma_wait3A_472 = arith.constant 0 : i32
    %dma_wait3A_473 = arith.constant 0 : i32
    %dma_wait3A_474 = tpu.memref_slice %arg6[%dma_wait3A_458, %dma_wait3A_472, %dma_wait3A_473] : memref<8x50x128xf32, #tpu.memory_space<vmem>> -> memref<1x50x128xf32, #tpu.memory_space<vmem>>
    %dma_wait3A_475 = tpu.memref_squeeze %dma_wait3A_474 : memref<1x50x128xf32, #tpu.memory_space<vmem>> -> memref<50x128xf32, #tpu.memory_space<vmem>>
    tpu.wait_dma2 semaphore(%arg21 : memref<!tpu.dma_semaphore, #tpu.memory_space<semaphore_mem>>) src(%dma_wait3A_475 : memref<50x128xf32, #tpu.memory_space<vmem>>) dst(%dma_wait3A_471 : memref<50x128xf32, #tpu.memory_space<hbm>>)
    %dma_wait3A_476 = arith.constant 7 : i32
    %dma_wait3A_477 = arith.constant 0 : i32
    %dma_wait3A_478 = arith.constant 0 : i32
    %dma_wait3A_479 = arith.constant 0 : i32
    %dma_wait3A_480 = tpu.memref_slice %arg6[%dma_wait3A_476, %dma_wait3A_478, %dma_wait3A_479] : memref<8x50x128xf32, #tpu.memory_space<vmem>> -> memref<1x50x128xf32, #tpu.memory_space<vmem>>
    %dma_wait3A_481 = tpu.memref_squeeze %dma_wait3A_480 : memref<1x50x128xf32, #tpu.memory_space<vmem>> -> memref<50x128xf32, #tpu.memory_space<vmem>>
    %dma_wait3A_482 = arith.constant 0 : i32
    %dma_wait3A_483 = arith.constant 0 : i32
    %dma_wait3A_484 = tpu.memref_slice %arg4[%dma_wait3A_477, %dma_wait3A_482, %dma_wait3A_483] : memref<4096x50x128xf32, #tpu.memory_space<hbm>> -> memref<1x50x128xf32, #tpu.memory_space<hbm>>
    %dma_wait3A_485 = tpu.memref_squeeze %dma_wait3A_484 : memref<1x50x128xf32, #tpu.memory_space<hbm>> -> memref<50x128xf32, #tpu.memory_space<hbm>>
    %dma_wait3A_486 = arith.constant 0 : i32
    %dma_wait3A_487 = arith.constant 0 : i32
    %dma_wait3A_488 = tpu.memref_slice %arg4[%dma_wait3A_477, %dma_wait3A_486, %dma_wait3A_487] : memref<4096x50x128xf32, #tpu.memory_space<hbm>> -> memref<1x50x128xf32, #tpu.memory_space<hbm>>
    %dma_wait3A_489 = tpu.memref_squeeze %dma_wait3A_488 : memref<1x50x128xf32, #tpu.memory_space<hbm>> -> memref<50x128xf32, #tpu.memory_space<hbm>>
    %dma_wait3A_490 = arith.constant 0 : i32
    %dma_wait3A_491 = arith.constant 0 : i32
    %dma_wait3A_492 = tpu.memref_slice %arg6[%dma_wait3A_476, %dma_wait3A_490, %dma_wait3A_491] : memref<8x50x128xf32, #tpu.memory_space<vmem>> -> memref<1x50x128xf32, #tpu.memory_space<vmem>>
    %dma_wait3A_493 = tpu.memref_squeeze %dma_wait3A_492 : memref<1x50x128xf32, #tpu.memory_space<vmem>> -> memref<50x128xf32, #tpu.memory_space<vmem>>
    tpu.wait_dma2 semaphore(%arg22 : memref<!tpu.dma_semaphore, #tpu.memory_space<semaphore_mem>>) src(%dma_wait3A_493 : memref<50x128xf32, #tpu.memory_space<vmem>>) dst(%dma_wait3A_489 : memref<50x128xf32, #tpu.memory_space<hbm>>)
    return
  }
}

</mosaic_0001>

<sc_bundles>
// kernel: kernel.3.cloned.1.call-start
scs
__scs_entry_jumppad:
0x0: {  	(pc) =	sbr.rel $0x88, $3  }
0x1: {  	(tag) =	ssettag $0x0;
	lr =	simm.s32 $0x1  }
0x2: {  	[smem:$0x3F9F] =	sst lr;
	_ =	strace $0xD0000000  }
0x3: {  	_ = 	snop  }
0x4: {  	_ = 	snop  }
0x5: {  	_ = 	snop  }
0x6: {  	_ = 	snop  }
0x7: {  	_ = 	snop  }
__scs_overlays_trampoline_lowered:
0x8: {  	[smem:$0x3FAE] =	sst s0  }
0x9: {  	[smem:$0x3FAF] =	sst s1  }
0xa: {  	[smem:$0x3FB0] =	sst s2  }
0xb: {  	[smem:$0x3FB1] =	sst s3  }
0xc: {  	[smem:$0x3FB2] =	sst s4  }
0xd: {  	[smem:$0x3FB3] =	sst s5  }
0xe: {  	[smem:$0x3FB4] =	sst s6  }
0xf: {  	[smem:$0x3FB5] =	sst s7  }
0x10: {  	[smem:$0x3FB6] =	sst s8  }
0x11: {  	[smem:$0x3FB7] =	sst s9;
	s0 =	simm.s32 @!p0 $0x0  }
0x12: {  	s1 =	sld [smem:$0x3F9D];
	s0 =	simm.s32 @p0 $0x1  }
0x13: {  	[smem:$0x3FB8] =	sst s0;
	s0 =	simm.s32 @!p1 $0x0  }
0x14: {  	s2 =	sld [smem:$0x3F9C];
	s0 =	simm.s32 @p1 $0x1  }
0x15: {  	[smem:$0x3FB9] =	sst s0;
	s0 =	simm.s32 @!p2 $0x0  }
0x16: {  	s3 =	sld [smem:$0x3FDB];
	s0 =	simm.s32 @p2 $0x1  }
0x17: {  	s4 =	simm.s32 $0x1BF5;
	[smem:$0x3FBB] =	sst s0  }
0x18: {  	s0 =	sld [smem:$0x3F9E];
	_ =	swait.ge [sflag:s4], $0x0  }
0x19: {  	s7 =	sld [smem:$0x3F9F]  }
0x1a: {  	s8 =	sadd.s32 $0xFFFFE003, lr  }
0x1b: {  	s9 =	sadd.s32 $0xFFFFFEF7, lr;
	s5 =	simm.s32 $0xFFFFFFFF;
	p2 =	slt.u32 s8, $0xFFFFF086  }
0x1c: {  	p1 =	slt.u32 s9, $0xF7A;
	s5 =	simm.s32 @!p2 $0x0  }
0x1d: {  	s5 =	simm.s32 @p1 $0x1;
	p0 =	seq.s32 s7, s2  }
0x1e: {  	s7 =	smul.u32 @!p0 $0xF7A, s2;
	p2 =	seq.s32 @!p0 s5, $0x0  }
0x1f: {  	s9 =	smul.u32 $0xF7A, s1;
	s8 =	simm.s32 @!p0 $0x1BF5;
	p2 =	por !p2, p0  }
0x20: {  	[sflag:s8] =	ssyncset.s32 @!p0 $0xFFFFF086;
	s6 =	sadd.s32 @!p0 s3, s7;
	s7 =	simm.s32 @!p0 $0x108  }
0x21: {  	s3 =	sadd.s32 s3, s9;
	s6 =	sadd.s32 @!p0 $0x88, s6;
	s7 =	simm.s32 @p2 $0x1082  }
0x22: {  	[simem:s7], [sflag:s8] =	dma.local @!p0 [hbm:s6], $0xF7A  }
0x23: {  	s9 =	sor.u32 $0xD0000000, s2;
	s6 =	simm.s32 $0x108;
	_ =	swait.ge @!p0 [sflag:s8], $0x0  }
0x24: {  	s3 =	sadd.s32 $0x88, s3;
	s6 =	simm.s32 @!p1 $0x1082;
	[sflag:s4] =	ssyncset.s32 $0xFFFFF086  }
0x25: {  	[simem:s6], [sflag:s4] =	dma.local [hbm:s3], $0xF7A  }
0x26: {  	[smem:$0x3F9F] =	sst s1;
	(tag) =	ssettag s2;
	_ =	strace s9  }
0x27: {  	s1 =	sld [smem:$0x3FAF]  }
0x28: {  	s2 =	sld [smem:$0x3FB0]  }
0x29: {  	s4 =	sld [smem:$0x3FB2]  }
0x2a: {  	p0 =	seq.s32 s5, $0x0;
	s5 =	sld [smem:$0x3FB3]  }
0x2b: {  	s6 =	sld [smem:$0x3FB4]  }
0x2c: {  	s7 =	sld [smem:$0x3FB5]  }
0x2d: {  	s3 =	simm.s32 $0x108;
	s8 =	sld [smem:$0x3FB6]  }
0x2e: {  	s3 =	simm.s32 @!p0 $0x1082;
	s9 =	sld [smem:$0x3FB7]  }
0x2f: {  	lr =	sadd.s32 s0, s3;
	s0 =	sld [smem:$0x3FAE]  }
0x30: {  	s3 =	sld [smem:$0x3FB1]  }
0x31: {  	[smem:$0x3FBA] =	sst s10  }
0x32: {  	s10 =	sld [smem:$0x3FB8];
	_ =	sdelay $0x3  }
0x33: {  	p0 =	seq.s32 s10, $0x1;
	s10 =	sld [smem:$0x3FBA];
	_ =	sdelay $0x3  }
0x34: {  	[smem:$0x3FBA] =	sst s10  }
0x35: {  	s10 =	sld [smem:$0x3FB9];
	_ =	sdelay $0x3  }
0x36: {  	p1 =	seq.s32 s10, $0x1;
	s10 =	sld [smem:$0x3FBA];
	_ =	sdelay $0x3  }
0x37: {  	[smem:$0x3FBA] =	sst s10  }
0x38: {  	s10 =	sld [smem:$0x3FBB]  }
0x39: {  	_ = 	snop;
	(pc) =	sbr.ind lr, $3  }
0x3a: {  	_ = 	snop  }
0x3b: {  	_ = 	snop  }
0x3c: {  	p2 =	seq.s32 s10, $0x1;
	s10 =	sld [smem:$0x3FBA]  }
0x3d: {  	_ =	shalt  }
0x3e: {  	_ =	shalt  }
0x3f: {  	_ =	shalt  }
0x40: {  	_ =	shalt  }
0x41: {  	_ =	shalt  }
0x42: {  	_ =	shalt  }
0x43: {  	_ =	shalt  }
0x44: {  	_ =	shalt  }
0x45: {  	_ =	shalt  }
0x46: {  	_ =	shalt  }
0x47: {  	_ =	shalt  }
0x48: {  	_ =	shalt  }
0x49: {  	_ =	shalt  }
0x4a: {  	_ =	shalt  }
0x4b: {  	_ =	shalt  }
0x4c: {  	_ =	shalt  }
0x4d: {  	_ =	shalt  }
0x4e: {  	_ =	shalt  }
0x4f: {  	_ =	shalt  }
0x50: {  	_ =	shalt  }
0x51: {  	_ =	shalt  }
0x52: {  	_ =	shalt  }
0x53: {  	_ =	shalt  }
0x54: {  	_ =	shalt  }
0x55: {  	_ =	shalt  }
0x56: {  	_ =	shalt  }
0x57: {  	_ =	shalt  }
0x58: {  	_ =	shalt  }
0x59: {  	_ =	shalt  }
0x5a: {  	_ =	shalt  }
0x5b: {  	_ =	shalt  }
0x5c: {  	_ =	shalt  }
0x5d: {  	_ =	shalt  }
0x5e: {  	_ =	shalt  }
0x5f: {  	_ =	shalt  }
0x60: {  	_ =	shalt  }
0x61: {  	_ =	shalt  }
0x62: {  	_ =	shalt  }
0x63: {  	_ =	shalt  }
0x64: {  	_ =	shalt  }
0x65: {  	_ =	shalt  }
0x66: {  	_ =	shalt  }
0x67: {  	_ =	shalt  }
0x68: {  	_ =	shalt  }
0x69: {  	_ =	shalt  }
0x6a: {  	_ =	shalt  }
0x6b: {  	_ =	shalt  }
0x6c: {  	_ =	shalt  }
0x6d: {  	_ =	shalt  }
0x6e: {  	_ =	shalt  }
0x6f: {  	_ =	shalt  }
0x70: {  	_ =	shalt  }
0x71: {  	_ =	shalt  }
0x72: {  	_ =	shalt  }
0x73: {  	_ =	shalt  }
0x74: {  	_ =	shalt  }
0x75: {  	_ =	shalt  }
0x76: {  	_ =	shalt  }
0x77: {  	_ =	shalt  }
0x78: {  	_ =	shalt  }
0x79: {  	_ =	shalt  }
0x7a: {  	_ =	shalt  }
0x7b: {  	_ =	shalt  }
0x7c: {  	_ =	shalt  }
0x7d: {  	_ =	shalt  }
0x7e: {  	_ =	shalt  }
0x7f: {  	_ =	shalt  }
0x80: {  	_ =	shalt  }
0x81: {  	_ =	shalt  }
0x82: {  	_ =	shalt  }
0x83: {  	_ =	shalt  }
0x84: {  	_ =	shalt  }
0x85: {  	_ =	shalt  }
0x86: {  	_ =	shalt  }
0x87: {  	_ =	shalt  }
.Lfunc_end0:
.L_simem_size_0:
called_computation_lowered:
.L_overlay_start_0:
0x88: {  	s2 =	sld [smem:$0x3FD9]  }
0x89: {  	s3 =	sld [smem:$0x3FFE];
	_ =	sdelay $0x1  }
0x8a: {  	s1 =	srdreg.scid  }
0x8b: {  	s0 =	sand.u32 $0x1, s1  }
0x8c: {  	s17 =	sshll.u32 s0, $0xA;
	s2 =	sadd.s32 s3, s2  }
0x8d: {  	s2 =	sadd.s32 s2, s17  }
0x8e: {  	[smem:$0x3FC6] =	sst s2  }
0x8f: {  	_ = 	snop  }
0x90: {  	s2 =	sld [smem:$0x3FC8]  }
0x91: {  	s18 =	sld [smem:$0x3FD0];
	(tm) =	ssettm $0x1  }
0x92: {  	s4 =	sld [smem:$0x3FFB];
	_ =	sdelay $0x3  }
0x93: {  	_ =	strace s4  }
0x94: {  	s4 =	sld [smem:$0x3FFC];
	_ =	sdelay $0x3  }
0x95: {  	_ =	strace s4  }
0x96: {  	s4 =	sld [smem:$0x3FFD];
	_ =	sdelay $0x3  }
0x97: {  	_ =	strace s4  }
0x98: {  	_ =	strace $0x8FFFFFFF  }
0x99: {  	s19 =	sld [smem:$0x3FDB];
	_ =	sdelay $0x1  }
0x9a: {  	s5 =	simm.s32 $_scs_section_size  }
0x9b: {  	s6 =	simm.s32 $_size__tile_overlayer_lowered;
	s7 =	simm.s32 $_tile_overlayer_lowered  }
0x9c: {  	s22 =	simm.s32 $0x1BFF;
	s21 =	sshll.u32 s7, $0x1;
	s4 =	sadd.s32 s5, s19  }
0x9d: {  	s8 =	simm.s32 $0x0;
	s20 =	sshll.u32 s6, $0x1;
	s6 =	sadd.s32 s21, s4  }
0x9e: {  	[timem:s8], [sflag:s22] =	dma.local [hbm:s6], s20  }
0x9f: {  	_ =	swait.ge [sflag:s22], s20  }
0xa0: {  	s5 =	ssub.s32 $0x0, s20;
	[sflag:s22] =	ssyncset.done $0x0  }
0xa1: {  	[sflag:s22] =	ssyncadd.s32 s5;
	_ =	sdelay $0x1  }
0xa2: {  	s23 =	simm.s32 $0x1B8B  }
0xa3: {  	_ =	swait.ge [sflag:s23], $0x1  }
0xa4: {  	[sflag:s23] =	ssyncset.done $0x0  }
0xa5: {  	s25 =	simm.s32 $0x1B8E;
	s24 =	sld [smem:$0x3FFE];
	[sflag:s23] =	ssyncadd.s32 $0xFFFFFFFF  }
0xa6: {  	s26 =	simm.s32 $execute0_lowered;
	[smem:$0x3FD2] =	sst s25  }
0xa7: {  	s6 =	sshll.u32 s26, $0x1;
	_ =	strace $0x80000046;
	[dreg:$0x1] =	wrdreg $0xFFFFFFFF  }
0xa8: {  	s28 =	simm.s32 $_size_execute0_lowered;
	s4 =	sadd.s32 s4, s6;
	[dreg:$0x0] =	wrdreg $0x0  }
0xa9: {  	s6 =	sshll.u32 s28, $0x1;
	[dreg:$0x2] =	wrdreg s4  }
0xaa: {  	[dreg:$0x3] =	wrdreg s6  }
0xab: {  	[dreg:$0x4] =	wrdreg $0xC0  }
0xac: {  	_ =	task [dreg:s8], $0x5FFFF  }
0xad: {  	[dreg:$0x1] =	wrdreg $0xFFFFFFFF  }
0xae: {  	[dreg:$0x0] =	wrdreg $0x60  }
0xaf: {  	[dreg:$0x2] =	wrdreg s18  }
0xb0: {  	[dreg:$0x3] =	wrdreg s2  }
0xb1: {  	[dreg:$0x4] =	wrdreg s24  }
0xb2: {  	[dreg:$0x5] =	wrdreg $0x9  }
0xb3: {  	_ =	task.clear_ibuf [dreg:s8], $0x6FFFF;
	_ =	strace $0x90000046  }
0xb4: {  	s29 =	simm.s32 $0x9;
	_ =	strace $0x80000048  }
0xb5: {  	_ =	swait.ge [sflag:s29], $0x1  }
0xb6: {  	[sflag:s29] =	ssyncadd.s32 $0xFFFFFFFF  }
0xb7: {  	_ =	strace $0x90000048  }
0xb8: {  	_ =	sfence  }
0xb9: {  	s30 =	sld [smem:$0x0];
	_ =	sdelay $0x2  }
0xba: {  	s31 =	sshll.u32 s1, $0xD;
	s1 =	sshrl.u32 s1, $0x2  }
0xbb: {  	s3 =	sand.u32 $0x4000, s31;
	s1 =	sadd.s32 s1, s30  }
0xbc: {  	s0 =	sor.u32 s3, s0;
	s1 =	sshll.u32 s1, $0x11  }
0xbd: {  	s0 =	sor.u32 s1, s0  }
0xbe: {  	s0 =	sadd.s32 $0x8F2B, s0  }
0xbf: {  	[sflag:s0] =	ssyncadd.remote.s32 $0x1  }
0xc0: {  	_ =	sfence.sel $0xFFFF  }
0xc1: {  	[dreg:$0x0] =	wrdreg $0xFFFFFFFF;
	(pc) =	sbr.abs _section_cstart, $3  }
0xc2: {  	[dreg:$0x1] =	wrdreg $0xFFFFFFFF  }
0xc3: {  	_ =	task.clear_ibuf [dreg:s8], $0x2FFFF;
	_ =	strace $0x9FFFFFFF  }
0xc4: {  	(tm) =	ssettm $0x7FFFFFFF  }
0xc5: {  	_ =	shalt  }
tec
execute0_lowered:
.L_overlay_start_1:
0x0: {  	(tag) =	ssettag $0x1  }
0x1: {  	s0 =	rddreg [dreg:$0x0]  }
0x2: {  	s1 =	srdreg.scid;
	s2 =	rddreg [dreg:$0x1]  }
0x3: {  	s9 =	stileid.u32;
	s4 =	rddreg [dreg:$0x2]  }
0x4: {  	s3 =	simm.s32 $0x0;
	s16 =	simm.s32 $0x32;
	s28 =	simm.s32 $0xCC00  }
0x5: {  	s30 =	simm.s32 $0xE800;
	s29 =	simm.s32 $0x7;
	s31 =	simm.s32 $0x8  }
0x6: {  	s10 =	simm.s32 $0xF;
	s11 =	simm.s32 $0x10;
	s13 =	simm.s32 $0x0  }
0x7: {  	s1 =	sand.u32 $0x1, s1;
	s5 =	sshll.u32 s9, $0x8;
	[smem:$0x7FF] =	sst s3  }
0x8: {  	s4 =	sadd.s32 $0x400, s4;
	s21 =	smul.u32 $0x38000, s9;
	s9 =	simm.s32 $0xE  }
0x9: {  	s6 =	sshll.u32 s1, $0x7;
	_ =	strace $0x80000047;
	s7 =	ssub.s32 $0x2, s1  }
0xa: {  	s1 =	smul.u32 $0x1C000, s1;
	s5 =	sor.u32 s6, s5;
	s8 =	sshrl.u32 s7, $0x1  }
0xb: {  	s6 =	smul.u32 $0x1C00, s5;
	s7 =	ssub.s32 s7, s8;
	s5 =	sshll.u32 s5, $0x4  }
0xc: {  	s8 =	simm.s32 $0xD;
	s0 =	sadd.s32 s0, s5;
	s26 =	smax.u32 s7, $0x1  }
0xd: {  	s6 =	sshrl.u32 s6, $0x3;
	[dreg:$0x4] =	wrdreg s0;
	s0 =	sadd.s32 s21, s4  }
0xe: {  	[dreg:$0xd] =	wrdreg s26;
	s6 =	sadd.s32 s4, s6;
	s0 =	sadd.s32 s1, s0  }
0xf: {  	s5 =	simm.s32 $0xA;
	s17 =	sadd.s32 $0x1A400, s6;
	[dreg:$0xe] =	wrdreg s0  }
0x10: {  	s7 =	simm.s32 $0xC;
	s18 =	sadd.s32 $0x1A780, s6;
	[dreg:$0x5] =	wrdreg s17  }
0x11: {  	s21 =	simm.s32 $0x7800;
	s19 =	sadd.s32 $0x1AB00, s6;
	[dreg:$0x6] =	wrdreg s18  }
0x12: {  	s26 =	simm.s32 $0x6;
	s20 =	sadd.s32 $0x1AE80, s6;
	[dreg:$0x7] =	wrdreg s19  }
0x13: {  	s1 =	simm.s32 $0x10400;
	s22 =	sadd.s32 $0x1B200, s6;
	[dreg:$0x8] =	wrdreg s20  }
0x14: {  	s4 =	simm.s32 $0x9;
	s23 =	sadd.s32 $0x1B580, s6;
	[dreg:$0x9] =	wrdreg s22  }
0x15: {  	s24 =	sadd.s32 $0x1B900, s6;
	s25 =	sadd.s32 $0x1BC80, s6;
	[dreg:$0xa] =	wrdreg s23  }
0x16: {  	s0 =	simm.s32 $0x1;
	s6 =	simm.s32 $0xB;
	[dreg:$0xb] =	wrdreg s24  }
0x17: {  	[dreg:$0xc] =	wrdreg s25;
	s17 =	simm.s32 $0x4000;
	s19 =	simm.s32 $0x5C00  }
0x18: {  	s23 =	simm.s32 $0x9400;
	s25 =	simm.s32 $0xB000;
	s18 =	simm.s32 $0x2  }
0x19: {  	s20 =	simm.s32 $0x3;
	s22 =	simm.s32 $0x4;
	s24 =	simm.s32 $0x5  }
.LBB2_1:
0x1a: {  	[dreg:$0xf] =	wrdreg s13  }
0x1b: {  	s12 =	rddreg [dreg:$0x4];
	s14 =	simm.s32 $0x11  }
0x1c: {  	[tilespmem:s3], [sflag:$0x11] =	stream.linear.gather [hbm4b:s12+s3], $0x4000, $0x38;
	[tilespmem:$0x12000] =	vst v63  }
0x1d: {  	_ =	swait.ge [sflag:s14], $0x4000  }
0x1e: {  	[sflag:s14] =	ssyncset.done $0x0  }
0x1f: {  	[sflag:s14] =	ssyncadd.s32 $0xFFFFC000  }
0x20: {  	[tilespmem:s17], [sflag:$0x1] =	stream.indirect.gather [hbm4b:s2+s16], $0x80, s3, s16, $0xb8;
	[tilespmem:$0x12000] =	vst v63  }
0x21: {  	s15 =	simm.s32 $0x80  }
0x22: {  	[tilespmem:s19], [sflag:$0x2] =	stream.indirect.gather [hbm4b:s2+s16], $0x80, s15, s16, $0xb8;
	[tilespmem:$0x12000] =	vst v63  }
0x23: {  	s13 =	simm.s32 $0x100  }
0x24: {  	[tilespmem:s21], [sflag:$0x3] =	stream.indirect.gather [hbm4b:s2+s16], $0x80, s13, s16, $0xb8;
	[tilespmem:$0x12000] =	vst v63  }
0x25: {  	s14 =	simm.s32 $0x180  }
0x26: {  	[tilespmem:s23], [sflag:$0x4] =	stream.indirect.gather [hbm4b:s2+s16], $0x80, s14, s16, $0xb8;
	[tilespmem:$0x12000] =	vst v63  }
0x27: {  	s15 =	simm.s32 $0x200  }
0x28: {  	[tilespmem:s25], [sflag:$0x5] =	stream.indirect.gather [hbm4b:s2+s16], $0x80, s15, s16, $0xb8;
	[tilespmem:$0x12000] =	vst v63  }
0x29: {  	s13 =	simm.s32 $0x280  }
0x2a: {  	[tilespmem:s28], [sflag:$0x6] =	stream.indirect.gather [hbm4b:s2+s16], $0x80, s13, s16, $0xb8;
	[tilespmem:$0x12000] =	vst v63  }
0x2b: {  	s14 =	simm.s32 $0x300  }
0x2c: {  	[tilespmem:s30], [sflag:$0x7] =	stream.indirect.gather [hbm4b:s2+s16], $0x80, s14, s16, $0xb8;
	[tilespmem:$0x12000] =	vst v63  }
0x2d: {  	s15 =	simm.s32 $0x380  }
0x2e: {  	[tilespmem:s1], [sflag:$0x8] =	stream.indirect.gather [hbm4b:s2+s16], $0x80, s15, s16, $0xb8;
	[tilespmem:$0x12000] =	vst v63  }
0x2f: {  	_ =	swait.ge [sflag:s0], $0x1900  }
0x30: {  	[sflag:s0] =	ssyncset.done $0x0  }
0x31: {  	s14 =	rddreg [dreg:$0xe];
	[sflag:s0] =	ssyncadd.s32 $0xFFFFE700  }
0x32: {  	[hbm4b:s14+s3] =	stream.linear.scatter [tilespmem:s17], [sflag:$0x9], $0x1900, $0x38;
	[tilespmem:$0x12000] =	vst v63  }
0x33: {  	_ =	swait.ge [sflag:s18], $0x1900  }
0x34: {  	[sflag:s18] =	ssyncset.done $0x0  }
0x35: {  	s13 =	sadd.s32 $0x380, s14;
	[sflag:s18] =	ssyncadd.s32 $0xFFFFE700  }
0x36: {  	[hbm4b:s13+s3] =	stream.linear.scatter [tilespmem:s19], [sflag:$0xA], $0x1900, $0x38;
	[tilespmem:$0x12000] =	vst v63  }
0x37: {  	_ =	swait.ge [sflag:s20], $0x1900  }
0x38: {  	[sflag:s20] =	ssyncset.done $0x0  }
0x39: {  	s15 =	sadd.s32 $0x700, s14;
	[sflag:s20] =	ssyncadd.s32 $0xFFFFE700  }
0x3a: {  	[hbm4b:s15+s3] =	stream.linear.scatter [tilespmem:s21], [sflag:$0xB], $0x1900, $0x38;
	[tilespmem:$0x12000] =	vst v63  }
0x3b: {  	_ =	swait.ge [sflag:s22], $0x1900  }
0x3c: {  	[sflag:s22] =	ssyncset.done $0x0  }
0x3d: {  	s13 =	sadd.s32 $0xA80, s14;
	[sflag:s22] =	ssyncadd.s32 $0xFFFFE700  }
0x3e: {  	[hbm4b:s13+s3] =	stream.linear.scatter [tilespmem:s23], [sflag:$0xC], $0x1900, $0x38;
	[tilespmem:$0x12000] =	vst v63  }
0x3f: {  	_ =	swait.ge [sflag:s24], $0x1900  }
0x40: {  	[sflag:s24] =	ssyncset.done $0x0  }
0x41: {  	s15 =	sadd.s32 $0xE00, s14;
	[sflag:s24] =	ssyncadd.s32 $0xFFFFE700  }
0x42: {  	[hbm4b:s15+s3] =	stream.linear.scatter [tilespmem:s25], [sflag:$0xD], $0x1900, $0x38;
	[tilespmem:$0x12000] =	vst v63  }
0x43: {  	_ =	swait.ge [sflag:s26], $0x1900  }
0x44: {  	[sflag:s26] =	ssyncset.done $0x0  }
0x45: {  	s13 =	sadd.s32 $0x1180, s14;
	[sflag:s26] =	ssyncadd.s32 $0xFFFFE700  }
0x46: {  	[hbm4b:s13+s3] =	stream.linear.scatter [tilespmem:s28], [sflag:$0xE], $0x1900, $0x38;
	[tilespmem:$0x12000] =	vst v63  }
0x47: {  	_ =	swait.ge [sflag:s29], $0x1900  }
0x48: {  	[sflag:s29] =	ssyncset.done $0x0  }
0x49: {  	s15 =	sadd.s32 $0x1500, s14;
	[sflag:s29] =	ssyncadd.s32 $0xFFFFE700  }
0x4a: {  	[hbm4b:s15+s3] =	stream.linear.scatter [tilespmem:s30], [sflag:$0xF], $0x1900, $0x38;
	[tilespmem:$0x12000] =	vst v63  }
0x4b: {  	_ =	swait.ge [sflag:s31], $0x1900  }
0x4c: {  	[sflag:s31] =	ssyncset.done $0x0  }
0x4d: {  	s13 =	sadd.s32 $0x1880, s14;
	[sflag:s31] =	ssyncadd.s32 $0xFFFFE700  }
0x4e: {  	[hbm4b:s13+s3] =	stream.linear.scatter [tilespmem:s1], [sflag:$0x10], $0x1900, $0x38;
	[tilespmem:$0x12000] =	vst v63  }
0x4f: {  	_ =	swait.ge [sflag:s4], $0x1900  }
0x50: {  	[sflag:s4] =	ssyncset.done $0x0  }
0x51: {  	s15 =	simm.s32 $0x400;
	[sflag:s4] =	ssyncadd.s32 $0xFFFFE700  }
0x52: {  	[tilespmem:s17], [sflag:$0x1] =	stream.indirect.gather [hbm4b:s2+s16], $0x80, s15, s16, $0xb8;
	[tilespmem:$0x12000] =	vst v63  }
0x53: {  	_ =	swait.ge [sflag:s5], $0x1900  }
0x54: {  	[sflag:s5] =	ssyncset.done $0x0  }
0x55: {  	s13 =	simm.s32 $0x480;
	[sflag:s5] =	ssyncadd.s32 $0xFFFFE700  }
0x56: {  	[tilespmem:s19], [sflag:$0x2] =	stream.indirect.gather [hbm4b:s2+s16], $0x80, s13, s16, $0xb8;
	[tilespmem:$0x12000] =	vst v63  }
0x57: {  	_ =	swait.ge [sflag:s6], $0x1900  }
0x58: {  	[sflag:s6] =	ssyncset.done $0x0  }
0x59: {  	s15 =	simm.s32 $0x500;
	[sflag:s6] =	ssyncadd.s32 $0xFFFFE700  }
0x5a: {  	[tilespmem:s21], [sflag:$0x3] =	stream.indirect.gather [hbm4b:s2+s16], $0x80, s15, s16, $0xb8;
	[tilespmem:$0x12000] =	vst v63  }
0x5b: {  	_ =	swait.ge [sflag:s7], $0x1900  }
0x5c: {  	[sflag:s7] =	ssyncset.done $0x0  }
0x5d: {  	s13 =	simm.s32 $0x580;
	[sflag:s7] =	ssyncadd.s32 $0xFFFFE700  }
0x5e: {  	[tilespmem:s23], [sflag:$0x4] =	stream.indirect.gather [hbm4b:s2+s16], $0x80, s13, s16, $0xb8;
	[tilespmem:$0x12000] =	vst v63  }
0x5f: {  	_ =	swait.ge [sflag:s8], $0x1900  }
0x60: {  	[sflag:s8] =	ssyncset.done $0x0  }
0x61: {  	s15 =	simm.s32 $0x600;
	[sflag:s8] =	ssyncadd.s32 $0xFFFFE700  }
0x62: {  	[tilespmem:s25], [sflag:$0x5] =	stream.indirect.gather [hbm4b:s2+s16], $0x80, s15, s16, $0xb8;
	[tilespmem:$0x12000] =	vst v63  }
0x63: {  	_ =	swait.ge [sflag:s9], $0x1900  }
0x64: {  	[sflag:s9] =	ssyncset.done $0x0  }
0x65: {  	s13 =	simm.s32 $0x680;
	[sflag:s9] =	ssyncadd.s32 $0xFFFFE700  }
0x66: {  	[tilespmem:s28], [sflag:$0x6] =	stream.indirect.gather [hbm4b:s2+s16], $0x80, s13, s16, $0xb8;
	[tilespmem:$0x12000] =	vst v63  }
0x67: {  	_ =	swait.ge [sflag:s10], $0x1900  }
0x68: {  	[sflag:s10] =	ssyncset.done $0x0  }
0x69: {  	s15 =	simm.s32 $0x700;
	[sflag:s10] =	ssyncadd.s32 $0xFFFFE700  }
0x6a: {  	[tilespmem:s30], [sflag:$0x7] =	stream.indirect.gather [hbm4b:s2+s16], $0x80, s15, s16, $0xb8;
	[tilespmem:$0x12000] =	vst v63  }
0x6b: {  	_ =	swait.ge [sflag:s11], $0x1900  }
0x6c: {  	s12 =	simm.s32 $0x780;
	[sflag:s11] =	ssyncset.done $0x0  }
0x6d: {  	s13 =	simm.s32 $0x1000;
	s15 =	sadd.s32 $0x1C00, s14;
	[sflag:s11] =	ssyncadd.s32 $0xFFFFE700  }
.LBB2_2:
0x6e: {  	[tilespmem:s1], [sflag:$0x8] =	stream.indirect.gather [hbm4b:s2+s16], $0x80, s12, s16, $0xb8;
	[tilespmem:$0x12000] =	vst v63  }
0x6f: {  	s12 =	smov.u32 s13  }
0x70: {  	p0 =	sne.s32 s13, $0xE000;
	s13 =	sadd.s32 $0x1000, s13;
	_ =	swait.ge [sflag:s0], $0x1900  }
0x71: {  	[sflag:s0] =	ssyncset.done $0x0  }
0x72: {  	[sflag:s0] =	ssyncadd.s32 $0xFFFFE700  }
0x73: {  	[hbm4b:s15+s3] =	stream.linear.scatter [tilespmem:s17], [sflag:$0x9], $0x1900, $0x38;
	[tilespmem:$0x12000] =	vst v63  }
0x74: {  	_ =	swait.ge [sflag:s18], $0x1900  }
0x75: {  	[sflag:s18] =	ssyncset.done $0x0  }
0x76: {  	s14 =	sadd.s32 $0x380, s15;
	[sflag:s18] =	ssyncadd.s32 $0xFFFFE700  }
0x77: {  	[hbm4b:s14+s3] =	stream.linear.scatter [tilespmem:s19], [sflag:$0xA], $0x1900, $0x38;
	[tilespmem:$0x12000] =	vst v63  }
0x78: {  	_ =	swait.ge [sflag:s20], $0x1900  }
0x79: {  	[sflag:s20] =	ssyncset.done $0x0  }
0x7a: {  	s14 =	sadd.s32 $0x700, s15;
	[sflag:s20] =	ssyncadd.s32 $0xFFFFE700  }
0x7b: {  	[hbm4b:s14+s3] =	stream.linear.scatter [tilespmem:s21], [sflag:$0xB], $0x1900, $0x38;
	[tilespmem:$0x12000] =	vst v63  }
0x7c: {  	_ =	swait.ge [sflag:s22], $0x1900  }
0x7d: {  	[sflag:s22] =	ssyncset.done $0x0  }
0x7e: {  	s14 =	sadd.s32 $0xA80, s15;
	[sflag:s22] =	ssyncadd.s32 $0xFFFFE700  }
0x7f: {  	[hbm4b:s14+s3] =	stream.linear.scatter [tilespmem:s23], [sflag:$0xC], $0x1900, $0x38;
	[tilespmem:$0x12000] =	vst v63  }
0x80: {  	_ =	swait.ge [sflag:s24], $0x1900  }
0x81: {  	[sflag:s24] =	ssyncset.done $0x0  }
0x82: {  	s14 =	sadd.s32 $0xE00, s15;
	[sflag:s24] =	ssyncadd.s32 $0xFFFFE700  }
0x83: {  	[hbm4b:s14+s3] =	stream.linear.scatter [tilespmem:s25], [sflag:$0xD], $0x1900, $0x38;
	[tilespmem:$0x12000] =	vst v63  }
0x84: {  	_ =	swait.ge [sflag:s26], $0x1900  }
0x85: {  	[sflag:s26] =	ssyncset.done $0x0  }
0x86: {  	s14 =	sadd.s32 $0x1180, s15;
	[sflag:s26] =	ssyncadd.s32 $0xFFFFE700  }
0x87: {  	[hbm4b:s14+s3] =	stream.linear.scatter [tilespmem:s28], [sflag:$0xE], $0x1900, $0x38;
	[tilespmem:$0x12000] =	vst v63  }
0x88: {  	_ =	swait.ge [sflag:s29], $0x1900  }
0x89: {  	[sflag:s29] =	ssyncset.done $0x0  }
0x8a: {  	s14 =	sadd.s32 $0x1500, s15;
	[sflag:s29] =	ssyncadd.s32 $0xFFFFE700  }
0x8b: {  	[hbm4b:s14+s3] =	stream.linear.scatter [tilespmem:s30], [sflag:$0xF], $0x1900, $0x38;
	[tilespmem:$0x12000] =	vst v63  }
0x8c: {  	_ =	swait.ge [sflag:s31], $0x1900  }
0x8d: {  	[sflag:s31] =	ssyncset.done $0x0  }
0x8e: {  	s14 =	sadd.s32 $0x1880, s15;
	[sflag:s31] =	ssyncadd.s32 $0xFFFFE700  }
0x8f: {  	[hbm4b:s14+s3] =	stream.linear.scatter [tilespmem:s1], [sflag:$0x10], $0x1900, $0x38;
	[tilespmem:$0x12000] =	vst v63  }
0x90: {  	_ =	swait.ge [sflag:s4], $0x1900  }
0x91: {  	s12 =	sshra.s32 s12, $0x2;
	[sflag:s4] =	ssyncset.done $0x0  }
0x92: {  	s14 =	sadd.s32 $0x400, s12;
	[sflag:s4] =	ssyncadd.s32 $0xFFFFE700  }
0x93: {  	[tilespmem:s17], [sflag:$0x1] =	stream.indirect.gather [hbm4b:s2+s16], $0x80, s14, s16, $0xb8;
	[tilespmem:$0x12000] =	vst v63  }
0x94: {  	_ =	swait.ge [sflag:s5], $0x1900  }
0x95: {  	[sflag:s5] =	ssyncset.done $0x0  }
0x96: {  	s14 =	sadd.s32 $0x480, s12;
	[sflag:s5] =	ssyncadd.s32 $0xFFFFE700  }
0x97: {  	[tilespmem:s19], [sflag:$0x2] =	stream.indirect.gather [hbm4b:s2+s16], $0x80, s14, s16, $0xb8;
	[tilespmem:$0x12000] =	vst v63  }
0x98: {  	_ =	swait.ge [sflag:s6], $0x1900  }
0x99: {  	[sflag:s6] =	ssyncset.done $0x0  }
0x9a: {  	s14 =	sadd.s32 $0x500, s12;
	[sflag:s6] =	ssyncadd.s32 $0xFFFFE700  }
0x9b: {  	[tilespmem:s21], [sflag:$0x3] =	stream.indirect.gather [hbm4b:s2+s16], $0x80, s14, s16, $0xb8;
	[tilespmem:$0x12000] =	vst v63  }
0x9c: {  	_ =	swait.ge [sflag:s7], $0x1900  }
0x9d: {  	[sflag:s7] =	ssyncset.done $0x0  }
0x9e: {  	s14 =	sadd.s32 $0x580, s12;
	[sflag:s7] =	ssyncadd.s32 $0xFFFFE700  }
0x9f: {  	[tilespmem:s23], [sflag:$0x4] =	stream.indirect.gather [hbm4b:s2+s16], $0x80, s14, s16, $0xb8;
	[tilespmem:$0x12000] =	vst v63  }
0xa0: {  	_ =	swait.ge [sflag:s8], $0x1900  }
0xa1: {  	[sflag:s8] =	ssyncset.done $0x0  }
0xa2: {  	s14 =	sadd.s32 $0x600, s12;
	[sflag:s8] =	ssyncadd.s32 $0xFFFFE700  }
0xa3: {  	[tilespmem:s25], [sflag:$0x5] =	stream.indirect.gather [hbm4b:s2+s16], $0x80, s14, s16, $0xb8;
	[tilespmem:$0x12000] =	vst v63  }
0xa4: {  	_ =	swait.ge [sflag:s9], $0x1900  }
0xa5: {  	[sflag:s9] =	ssyncset.done $0x0  }
0xa6: {  	s14 =	sadd.s32 $0x680, s12;
	[sflag:s9] =	ssyncadd.s32 $0xFFFFE700  }
0xa7: {  	[tilespmem:s28], [sflag:$0x6] =	stream.indirect.gather [hbm4b:s2+s16], $0x80, s14, s16, $0xb8;
	[tilespmem:$0x12000] =	vst v63  }
0xa8: {  	_ =	swait.ge [sflag:s10], $0x1900  }
0xa9: {  	[sflag:s10] =	ssyncset.done $0x0  }
.Ltmp0:
0xaa: {  	s14 =	sadd.s32 $0x700, s12;
	[sflag:s10] =	ssyncadd.s32 $0xFFFFE700;
	(pc) =	sbr.rel @p0 .LBB2_2-.Ltmp0, $4  }
0xab: {  	[tilespmem:s30], [sflag:$0x7] =	stream.indirect.gather [hbm4b:s2+s16], $0x80, s14, s16, $0xb8;
	[tilespmem:$0x12000] =	vst v63  }
0xac: {  	_ =	swait.ge [sflag:s11], $0x1900  }
0xad: {  	[sflag:s11] =	ssyncset.done $0x0  }
0xae: {  	s15 =	sadd.s32 $0x1C00, s15;
	s12 =	sadd.s32 $0x780, s12;
	[sflag:s11] =	ssyncadd.s32 $0xFFFFE700  }
0xaf: {  	[tilespmem:s1], [sflag:$0x8] =	stream.indirect.gather [hbm4b:s2+s16], $0x80, s12, s16, $0xb8;
	[tilespmem:$0x12000] =	vst v63  }
0xb0: {  	_ =	swait.ge [sflag:s0], $0x1900  }
0xb1: {  	[sflag:s0] =	ssyncset.done $0x0  }
0xb2: {  	s13 =	rddreg [dreg:$0x5];
	[sflag:s0] =	ssyncadd.s32 $0xFFFFE700  }
0xb3: {  	[hbm4b:s13+s3] =	stream.linear.scatter [tilespmem:s17], [sflag:$0x9], $0x1900, $0x38;
	[tilespmem:$0x12000] =	vst v63  }
0xb4: {  	_ =	swait.ge [sflag:s18], $0x1900  }
0xb5: {  	[sflag:s18] =	ssyncset.done $0x0  }
0xb6: {  	s14 =	rddreg [dreg:$0x6];
	[sflag:s18] =	ssyncadd.s32 $0xFFFFE700  }
0xb7: {  	[hbm4b:s14+s3] =	stream.linear.scatter [tilespmem:s19], [sflag:$0xA], $0x1900, $0x38;
	[tilespmem:$0x12000] =	vst v63  }
0xb8: {  	_ =	swait.ge [sflag:s20], $0x1900  }
0xb9: {  	[sflag:s20] =	ssyncset.done $0x0  }
0xba: {  	s15 =	rddreg [dreg:$0x7];
	[sflag:s20] =	ssyncadd.s32 $0xFFFFE700  }
0xbb: {  	[hbm4b:s15+s3] =	stream.linear.scatter [tilespmem:s21], [sflag:$0xB], $0x1900, $0x38;
	[tilespmem:$0x12000] =	vst v63  }
0xbc: {  	_ =	swait.ge [sflag:s22], $0x1900  }
0xbd: {  	[sflag:s22] =	ssyncset.done $0x0  }
0xbe: {  	s13 =	rddreg [dreg:$0x8];
	[sflag:s22] =	ssyncadd.s32 $0xFFFFE700  }
0xbf: {  	[hbm4b:s13+s3] =	stream.linear.scatter [tilespmem:s23], [sflag:$0xC], $0x1900, $0x38;
	[tilespmem:$0x12000] =	vst v63  }
0xc0: {  	_ =	swait.ge [sflag:s24], $0x1900  }
0xc1: {  	[sflag:s24] =	ssyncset.done $0x0  }
0xc2: {  	s14 =	rddreg [dreg:$0x9];
	[sflag:s24] =	ssyncadd.s32 $0xFFFFE700  }
0xc3: {  	[hbm4b:s14+s3] =	stream.linear.scatter [tilespmem:s25], [sflag:$0xD], $0x1900, $0x38;
	[tilespmem:$0x12000] =	vst v63  }
0xc4: {  	_ =	swait.ge [sflag:s26], $0x1900  }
0xc5: {  	[sflag:s26] =	ssyncset.done $0x0  }
0xc6: {  	s15 =	rddreg [dreg:$0xa];
	[sflag:s26] =	ssyncadd.s32 $0xFFFFE700  }
0xc7: {  	[hbm4b:s15+s3] =	stream.linear.scatter [tilespmem:s28], [sflag:$0xE], $0x1900, $0x38;
	[tilespmem:$0x12000] =	vst v63  }
0xc8: {  	_ =	swait.ge [sflag:s29], $0x1900  }
0xc9: {  	[sflag:s29] =	ssyncset.done $0x0  }
0xca: {  	s13 =	rddreg [dreg:$0xb];
	[sflag:s29] =	ssyncadd.s32 $0xFFFFE700  }
0xcb: {  	[hbm4b:s13+s3] =	stream.linear.scatter [tilespmem:s30], [sflag:$0xF], $0x1900, $0x38;
	[tilespmem:$0x12000] =	vst v63  }
0xcc: {  	_ =	swait.ge [sflag:s31], $0x1900  }
0xcd: {  	[sflag:s31] =	ssyncset.done $0x0  }
0xce: {  	s14 =	rddreg [dreg:$0xc];
	[sflag:s31] =	ssyncadd.s32 $0xFFFFE700  }
0xcf: {  	[hbm4b:s14+s3] =	stream.linear.scatter [tilespmem:s1], [sflag:$0x10], $0x1900, $0x38;
	[tilespmem:$0x12000] =	vst v63  }
0xd0: {  	_ =	swait.ge [sflag:s4], $0x1900  }
0xd1: {  	[sflag:s4] =	ssyncset.done $0x0  }
0xd2: {  	[sflag:s4] =	ssyncadd.s32 $0xFFFFE700  }
0xd3: {  	_ =	swait.ge [sflag:s5], $0x1900  }
0xd4: {  	[sflag:s5] =	ssyncset.done $0x0  }
0xd5: {  	[sflag:s5] =	ssyncadd.s32 $0xFFFFE700  }
0xd6: {  	_ =	swait.ge [sflag:s6], $0x1900  }
0xd7: {  	[sflag:s6] =	ssyncset.done $0x0  }
0xd8: {  	[sflag:s6] =	ssyncadd.s32 $0xFFFFE700  }
0xd9: {  	_ =	swait.ge [sflag:s7], $0x1900  }
0xda: {  	[sflag:s7] =	ssyncset.done $0x0  }
0xdb: {  	[sflag:s7] =	ssyncadd.s32 $0xFFFFE700  }
0xdc: {  	_ =	swait.ge [sflag:s8], $0x1900  }
0xdd: {  	[sflag:s8] =	ssyncset.done $0x0  }
0xde: {  	[sflag:s8] =	ssyncadd.s32 $0xFFFFE700  }
0xdf: {  	_ =	swait.ge [sflag:s9], $0x1900  }
0xe0: {  	[sflag:s9] =	ssyncset.done $0x0  }
0xe1: {  	[sflag:s9] =	ssyncadd.s32 $0xFFFFE700  }
0xe2: {  	_ =	swait.ge [sflag:s10], $0x1900  }
0xe3: {  	[sflag:s10] =	ssyncset.done $0x0  }
0xe4: {  	[sflag:s10] =	ssyncadd.s32 $0xFFFFE700  }
0xe5: {  	_ =	swait.ge [sflag:s11], $0x1900  }
0xe6: {  	s13 =	rddreg [dreg:$0xf]  }
0xe7: {  	s15 =	rddreg [dreg:$0xd];
	s13 =	sadd.s32 $0x1, s13  }
0xe8: {  	p0 =	sne.s32 s13, s15  }
.Ltmp1:
0xe9: {  	_ = 	snop;
	(pc) =	sbr.rel @p0 .LBB2_1-.Ltmp1, $3  }
0xea: {  	_ =	sdelay $0x1  }
0xeb: {  	[sflag:s11] =	ssyncset.done $0x0  }
0xec: {  	[sflag:s11] =	ssyncadd.s32 $0xFFFFE700  }
0xed: {  	_ =	sfence.sel $0x180000  }
0xee: {  	[bflag:$0x0] =	sbarrier.arrive $0xFFFF  }
0xef: {  	_ =	strace $0x90000047  }
0xf0: {  	s0 =	stileid.u32;
	[bflag:$0x2] =	sbarrier.arrive $0xFFFF  }
0xf1: {  	p0 =	sne.s32 s0, $0x0;
	s0 =	rddreg [dreg:$0x3]  }
0xf2: {  	s0 =	sadd.s32 @!p0 $0x100000, s0  }
0xf3: {  	[sflag:s0] =	ssyncadd.tile.s32 @!p0 $0x1;
	_ =	shalt  }
.Lfunc_end2:
_tile_overlayer_lowered:
.L_overlay_start_2:
0xf4: {  	(tag) =	ssettag $0x2  }
0xf5: {  	s0 =	rddreg [dreg:$0x0];
	s2 =	stileid.u32  }
0xf6: {  	s1 =	rddreg [dreg:$0x1];
	p0 =	sne.s32 s2, $0x0  }
0xf7: {  	s3 =	rddreg [dreg:$0x2];
	[bflag:$0x3] =	sbarrier.arrive $0xFFFF;
	s2 =	simm.s32 @!p0 $0x1C11  }
0xf8: {  	[timem:s3], [sflag:s2] =	dma.local @!p0 [hbm:s0], s1  }
0xf9: {  	s0 =	simm.s32 @!p0 $0x11  }
0xfa: {  	_ =	swait.ge @!p0 [sflag:s0], s1  }
0xfb: {  	s1 =	ssub.s32 @!p0 $0x0, s1;
	[sflag:s0] =	ssyncset.done @!p0 $0x0  }
0xfc: {  	[sflag:s0] =	ssyncadd.s32 @!p0 s1  }
0xfd: {  	[bflag:$0x3] =	sbarrier.arrive $0xFFFF  }
0xfe: {  	_ =	shalt  }

</sc_bundles>
